<compile_context>
chip_gen: v7x
topology: tpu7x:2x2x1
jax: 0.10.2.dev20260603
libtpu: 0.0.44.dev20260713+nightly
codegen_flags: <defaults>
</compile_context>

<pallas_src>
import functools

import jax
import jax.numpy as jnp
from jax import lax
from jax.experimental import pallas as pl
from jax.experimental.pallas import tpu as pltpu
from jax.experimental.pallas import tpu_sc as plsc

B = 64
N = 576
C = 64
CODE_SIZES = (512, 1024, 4096, 8192)
TOTAL_ROWS = sum(CODE_SIZES)
ROW_OFF = (0, 512, 1536, 5632)
CHUNK = 512
STRIP = 64
BETA = 0.25
LOSS_SCALE = (1.0 + BETA) / (B * N * C * C)

NUM_WORKERS = 32
ROWS_PER_W = (B * N) // NUM_WORKERS
IDX_BATCH = 128
IDX_GROUPS = ROWS_PER_W // IDX_BATCH


def _argmin_kernel(start_ref, nchunk_ref, zt_ref, zsq_ref, cb_ref, esq_ref,
                   idx_ref, flat_ref, loss_ref,
                   rmin_ref, rarg_ref, rval_ref, acc_ref):
    b = pl.program_id(0)
    start = start_ref[b]
    nc = nchunk_ref[b]
    zt_bf = zt_ref[0]
    z_sq_row = zsq_ref[0]

    rmin_ref[...] = jnp.full((N,), jnp.inf, dtype=jnp.float32)
    rarg_ref[...] = jnp.zeros((N,), dtype=jnp.int32)
    rval_ref[...] = jnp.zeros((N,), dtype=jnp.float32)

    strip_rows = lax.broadcasted_iota(jnp.int32, (STRIP, N), 0).astype(jnp.float32)

    def body(k, _):
        row = pl.multiple_of(start + k * CHUNK, CHUNK)
        smins = []
        sargs = []
        for s_i in range(CHUNK // STRIP):
            r2 = pl.multiple_of(row + s_i * STRIP, STRIP)
            cb_s = cb_ref[pl.ds(r2, STRIP), :]
            e_s = esq_ref[pl.ds(r2, STRIP), :]
            m2 = lax.dot_general(cb_s, zt_bf, (((1,), (0,)), ((), ())),
                                 preferred_element_type=jnp.float32)
            ds = (z_sq_row + e_s) - m2
            smin = jnp.min(ds, axis=0)
            sarg = jnp.min(
                jnp.where(ds == smin[None, :], strip_rows, jnp.float32(3.0e38)),
                axis=0) + jnp.float32(s_i * STRIP)
            smins.append(smin)
            sargs.append(sarg)
        cmin, carg_f = smins[0], sargs[0]
        for s_i in range(1, len(smins)):
            bet = smins[s_i] < cmin
            carg_f = jnp.where(bet, sargs[s_i], carg_f)
            cmin = jnp.where(bet, smins[s_i], cmin)
        carg = carg_f.astype(jnp.int32)
        prev = rmin_ref[...]
        better = cmin < prev
        new_min = jnp.where(better, cmin, prev)
        at_boundary = jnp.logical_and(nc == 16, k == 7)
        rounded = new_min.astype(jnp.bfloat16).astype(jnp.float32)
        rmin_ref[...] = jnp.where(at_boundary, rounded, new_min)
        rarg_ref[...] = jnp.where(better, carg + k * CHUNK, rarg_ref[...])
        rval_ref[...] = jnp.where(better, cmin, rval_ref[...])
        return 0

    lax.fori_loop(0, nc, body, 0)

    idx_ref[0, 0, :] = rarg_ref[...]
    flat_ref[0, 0, :] = rarg_ref[...] + start
    part = jnp.sum(rval_ref[...])

    @pl.when(b == 0)
    def _init():
        acc_ref[0] = 0.0

    acc_ref[0] = acc_ref[0] + part

    @pl.when(b == B - 1)
    def _fin():
        loss_ref[0, 0] = acc_ref[0] * LOSS_SCALE


def _run_argmin(zt_bf, z_sq, start_row, n_chunk, cb_bf, e_sq_cat):
    return pl.pallas_call(
        _argmin_kernel,
        grid=(B,),
        in_specs=[
            pl.BlockSpec(memory_space=pltpu.SMEM),
            pl.BlockSpec(memory_space=pltpu.SMEM),
            pl.BlockSpec((1, C, N), lambda b: (b, 0, 0)),
            pl.BlockSpec((1, 1, N), lambda b: (b, 0, 0)),
            pl.BlockSpec((TOTAL_ROWS, C), lambda b: (0, 0)),
            pl.BlockSpec((TOTAL_ROWS, 1), lambda b: (0, 0)),
        ],
        out_specs=[
            pl.BlockSpec((1, 1, N), lambda b: (b, 0, 0)),
            pl.BlockSpec((1, 1, N), lambda b: (b, 0, 0)),
            pl.BlockSpec(memory_space=pltpu.SMEM),
        ],
        out_shape=[
            jax.ShapeDtypeStruct((B, 1, N), jnp.int32),
            jax.ShapeDtypeStruct((B, 1, N), jnp.int32),
            jax.ShapeDtypeStruct((1, 1), jnp.float32),
        ],
        scratch_shapes=[
            pltpu.VMEM((N,), jnp.float32),
            pltpu.VMEM((N,), jnp.int32),
            pltpu.VMEM((N,), jnp.float32),
            pltpu.SMEM((1,), jnp.float32),
        ],
    )(start_row, n_chunk, zt_bf, z_sq, cb_bf, e_sq_cat)


def _sc_gather(table, flat_idx):
    mesh = plsc.VectorSubcoreMesh(core_axis_name="c", subcore_axis_name="s")
    idx3 = flat_idx.reshape(NUM_WORKERS, IDX_GROUPS, IDX_BATCH)

    @functools.partial(
        pl.kernel,
        out_type=jax.ShapeDtypeStruct((B * N, C), jnp.float32),
        mesh=mesh,
        scratch_types=[
            pltpu.VMEM((IDX_GROUPS, IDX_BATCH), jnp.int32),
            pltpu.VMEM((ROWS_PER_W, C), jnp.float32),
            pltpu.SemaphoreType.DMA,
        ],
        compiler_params=pltpu.CompilerParams(use_tc_tiling_on_sc=False),
    )
    def gather_k(table_hbm, idx_hbm, out_hbm, idx_v, rows_v, sem):
        wid = lax.axis_index("s") * 2 + lax.axis_index("c")
        pltpu.sync_copy(idx_hbm.at[wid], idx_v)
        copies = [
            pltpu.async_copy(
                table_hbm.at[idx_v.at[j]],
                rows_v.at[pl.ds(j * IDX_BATCH, IDX_BATCH), :],
                sem,
            )
            for j in range(IDX_GROUPS)
        ]
        for cp in copies:
            cp.wait()
        pltpu.sync_copy(rows_v, out_hbm.at[pl.ds(wid * ROWS_PER_W, ROWS_PER_W), :])

    return gather_k(table, idx3)


def kernel(z_e, expert_idx, codebook_0, codebook_1, codebook_2, codebook_3):
    codebooks = [codebook_0, codebook_1, codebook_2, codebook_3]
    cb_cat = jnp.concatenate(codebooks, axis=0)
    cb_bf = (2.0 * cb_cat).astype(jnp.bfloat16)
    zt_bf = z_e.astype(jnp.bfloat16).transpose(0, 2, 1)
    z_sq = (z_e.reshape(-1, C) ** 2).sum(axis=1).reshape(B, 1, N)
    e_sq_cat = jnp.concatenate([(cb ** 2).sum(axis=1) for cb in codebooks])
    e_sq_col = e_sq_cat.reshape(TOTAL_ROWS, 1)

    offs = jnp.asarray(ROW_OFF, dtype=jnp.int32)
    ncs = jnp.asarray([s // CHUNK for s in CODE_SIZES], dtype=jnp.int32)
    start_row = jnp.take(offs, expert_idx)
    n_chunk = jnp.take(ncs, expert_idx)

    idx, flat, loss = _run_argmin(zt_bf, z_sq, start_row, n_chunk, cb_bf, e_sq_col)
    z_q = _sc_gather(cb_cat, flat.reshape(B * N)).reshape(B, N, C)
    return z_q, idx.reshape(B, N), loss[0, 0]

# --- scband reference (transcript-rebuilt; emitter-appended) ---
"""Pipeline reference for scband-vqmo-e-49864570306941 (READ-ONLY COPY).

The authoritative reference and input builder live on the scoring server;
editing this copy changes nothing except your own understanding.
"""

import jax, jax.numpy as jnp
import numpy as np
import math

CODE_DIMS = [512, 1024, 4096, 8192]
CODE_DIM = 64
BETA = 0.25
NUM_EXPERTS = len(CODE_DIMS)


def setup_inputs(seed: int = 0) -> dict:
    key = jax.random.key(seed)
    keys = jax.random.split(key, 2 + NUM_EXPERTS)
    z_e = jax.random.normal(keys[0], (64, 576, CODE_DIM), dtype=jnp.float32)
    expert_idx = jax.random.randint(keys[1], (64,), 0, NUM_EXPERTS, dtype=jnp.int32)
    bound = 1.0 / math.sqrt(CODE_DIM)
    inp = {"z_e": z_e, "expert_idx": expert_idx}
    for r in range(NUM_EXPERTS):
        inp[f"codebook_{r}"] = jax.random.uniform(
            keys[2 + r], (CODE_DIMS[r], CODE_DIM), minval=-bound, maxval=bound, dtype=jnp.float32
        )
    return inp


def reference(z_e, expert_idx, codebook_0, codebook_1, codebook_2, codebook_3):
    codebooks = [codebook_0, codebook_1, codebook_2, codebook_3]
    B, N, C = z_e.shape
    z_q = jnp.zeros_like(z_e)
    indices = jnp.zeros((B, N), dtype=jnp.int32)
    vq_loss_total = jnp.float32(0.0)
    z_flat = z_e.reshape(-1, C)
    z_sq = (z_flat ** 2).sum(axis=1, keepdims=True)
    for r, cb in enumerate(codebooks):
        mask = expert_idx == r  # [B]
        e_sq = (cb ** 2).sum(axis=1)[None, :]
        dists = z_sq + e_sq - 2.0 * (z_flat @ cb.T)
        idx = jnp.argmin(dists, axis=1).astype(jnp.int32).reshape(B, N)
        z_q_r = jnp.take(cb, idx, axis=0)  # [B, N, C] embedding gather
        z_q_st = z_e + jax.lax.stop_gradient(z_q_r - z_e)
        cnt = mask.sum()
        denom = jnp.maximum(cnt, 1).astype(jnp.float32) * N * C
        m3 = mask[:, None, None].astype(z_e.dtype)
        codebook_loss = (((jax.lax.stop_gradient(z_q_r) - z_e) ** 2) * m3).sum() / denom
        commit_loss = (((z_q_r - jax.lax.stop_gradient(z_e)) ** 2) * m3).sum() / denom
        vq_loss_r = (codebook_loss + BETA * commit_loss) / C
        frac = cnt.astype(jnp.float32) / B
        vq_loss_total = vq_loss_total + frac * vq_loss_r
        z_q = jnp.where(mask[:, None, None], z_q_st, z_q)
        indices = jnp.where(mask[:, None], idx, indices)
    return z_q, indices, vq_loss_total

if __name__ == "__main__":
    import jax
    _d = setup_inputs()
    print(jax.jit(kernel)(*tuple(_d.values())))

</pallas_src>

<mosaic_0001>
#map = affine_map<(d0, d1) -> (0, 0)>
#map1 = affine_map<(d0, d1) -> (0, 0, 0)>
module attributes {stable_mosaic.version = 14 : i64} {
  func.func @gather_k(%arg0: i32, %arg1: i32, %arg2: memref<13824x64xf32, #tpu.memory_space<hbm>>, %arg3: memref<32x9x128xi32, #tpu.memory_space<hbm>>, %arg4: memref<36864x64xf32, #tpu.memory_space<hbm>>, %arg5: memref<9x128xi32, #tpu.memory_space<vmem>>, %arg6: memref<1152x64xf32, #tpu.memory_space<vmem>>, %arg7: memref<!tpu.dma_semaphore, #tpu.memory_space<semaphore_mem>>) attributes {dimension_semantics = [#tpu.dimension_semantics<core_parallel>, #tpu.dimension_semantics<subcore_parallel>], iteration_bounds = array<i64: 2, 16>, scalar_prefetch = 0 : i64, scratch_operands = 3 : i64, tpu.core_type = #tpu.core_type<sc_vector_subcore>, window_params = [{transform_indices = #map}, {transform_indices = #map1}, {transform_indices = #map}]} {
    %mul3A = arith.constant 2 : i32
    %mul3A_0 = arith.muli %arg1, %mul3A : i32
    %add3A = arith.addi %mul3A_0, %arg0 : i32
    "tpu.region"() ({
      %run_scoped3A = tpu.sem_alloc : memref<!tpu.dma_semaphore, #tpu.memory_space<semaphore_mem>>
      %dma_start3A_181 = arith.constant 0 : i32
      %dma_start3A_182 = arith.constant 0 : i32
      %dma_start3A_183 = tpu.memref_slice %arg3[%add3A, %dma_start3A_181, %dma_start3A_182] : memref<32x9x128xi32, #tpu.memory_space<hbm>> -> memref<1x9x128xi32, #tpu.memory_space<hbm>>
      %dma_start3A_184 = tpu.memref_squeeze %dma_start3A_183 : memref<1x9x128xi32, #tpu.memory_space<hbm>> -> memref<9x128xi32, #tpu.memory_space<hbm>>
      %dma_start3A_185 = arith.constant 0 : i32
      %dma_start3A_186 = arith.constant 0 : i32
      %dma_start3A_187 = tpu.memref_slice %arg3[%add3A, %dma_start3A_185, %dma_start3A_186] : memref<32x9x128xi32, #tpu.memory_space<hbm>> -> memref<1x9x128xi32, #tpu.memory_space<hbm>>
      %dma_start3A_188 = tpu.memref_squeeze %dma_start3A_187 : memref<1x9x128xi32, #tpu.memory_space<hbm>> -> memref<9x128xi32, #tpu.memory_space<hbm>>
      tpu.enqueue_dma source(%dma_start3A_188 : memref<9x128xi32, #tpu.memory_space<hbm>>) target(%arg5 : memref<9x128xi32, #tpu.memory_space<vmem>>) target_semaphore(%run_scoped3A : memref<!tpu.dma_semaphore, #tpu.memory_space<semaphore_mem>>)
      %dma_wait3A_189 = arith.constant 0 : i32
      %dma_wait3A_190 = arith.constant 0 : i32
      %dma_wait3A_191 = tpu.memref_slice %arg3[%add3A, %dma_wait3A_189, %dma_wait3A_190] : memref<32x9x128xi32, #tpu.memory_space<hbm>> -> memref<1x9x128xi32, #tpu.memory_space<hbm>>
      %dma_wait3A_192 = tpu.memref_squeeze %dma_wait3A_191 : memref<1x9x128xi32, #tpu.memory_space<hbm>> -> memref<9x128xi32, #tpu.memory_space<hbm>>
      %dma_wait3A_193 = arith.constant 0 : i32
      %dma_wait3A_194 = arith.constant 0 : i32
      %dma_wait3A_195 = tpu.memref_slice %arg3[%add3A, %dma_wait3A_193, %dma_wait3A_194] : memref<32x9x128xi32, #tpu.memory_space<hbm>> -> memref<1x9x128xi32, #tpu.memory_space<hbm>>
      %dma_wait3A_196 = tpu.memref_squeeze %dma_wait3A_195 : memref<1x9x128xi32, #tpu.memory_space<hbm>> -> memref<9x128xi32, #tpu.memory_space<hbm>>
      tpu.wait_dma2 semaphore(%run_scoped3A : memref<!tpu.dma_semaphore, #tpu.memory_space<semaphore_mem>>) src(%dma_wait3A_196 : memref<9x128xi32, #tpu.memory_space<hbm>>) dst(%arg5 : memref<9x128xi32, #tpu.memory_space<vmem>>)
      tpu.yield
    }) : () -> ()
    %dma_start3A = arith.constant 0 : i32
    %dma_start3A_1 = arith.constant 0 : i32
    %dma_start3A_2 = arith.constant 0 : i32
    %dma_start3A_3 = tpu.memref_slice %arg6[%dma_start3A_1, %dma_start3A_2] : memref<1152x64xf32, #tpu.memory_space<vmem>> -> memref<128x64xf32, #tpu.memory_space<vmem>>
    %dma_start3A_4 = arith.constant 0 : i32
    %dma_start3A_5 = tpu.memref_slice %arg5[%dma_start3A, %dma_start3A_4] : memref<9x128xi32, #tpu.memory_space<vmem>> -> memref<1x128xi32, #tpu.memory_space<vmem>>
    %dma_start3A_6 = tpu.memref_squeeze %dma_start3A_5 : memref<1x128xi32, #tpu.memory_space<vmem>> -> memref<128xi32, #tpu.memory_space<vmem>>
    %dma_start3A_7 = arith.constant 0 : i32
    %dma_start3A_8 = arith.constant 0 : i32
    %dma_start3A_9 = tpu.memref_slice %arg2[%dma_start3A_7, %dma_start3A_8] : memref<13824x64xf32, #tpu.memory_space<hbm>> -> memref<13824x64xf32, #tpu.memory_space<hbm>>
    tpu.enqueue_indirect_dma source(%dma_start3A_9 : memref<13824x64xf32, #tpu.memory_space<hbm>>) target(%dma_start3A_3 : memref<128x64xf32, #tpu.memory_space<vmem>>) offsets(%dma_start3A_6 : memref<128xi32, #tpu.memory_space<vmem>>) semaphore(%arg7 : memref<!tpu.dma_semaphore, #tpu.memory_space<semaphore_mem>>)
    %dma_start3A_10 = arith.constant 1 : i32
    %dma_start3A_11 = arith.constant 128 : i32
    %dma_start3A_12 = arith.constant 0 : i32
    %dma_start3A_13 = tpu.memref_slice %arg6[%dma_start3A_11, %dma_start3A_12] : memref<1152x64xf32, #tpu.memory_space<vmem>> -> memref<128x64xf32, #tpu.memory_space<vmem>>
    %dma_start3A_14 = arith.constant 0 : i32
    %dma_start3A_15 = tpu.memref_slice %arg5[%dma_start3A_10, %dma_start3A_14] : memref<9x128xi32, #tpu.memory_space<vmem>> -> memref<1x128xi32, #tpu.memory_space<vmem>>
    %dma_start3A_16 = tpu.memref_squeeze %dma_start3A_15 : memref<1x128xi32, #tpu.memory_space<vmem>> -> memref<128xi32, #tpu.memory_space<vmem>>
    %dma_start3A_17 = arith.constant 0 : i32
    %dma_start3A_18 = arith.constant 0 : i32
    %dma_start3A_19 = tpu.memref_slice %arg2[%dma_start3A_17, %dma_start3A_18] : memref<13824x64xf32, #tpu.memory_space<hbm>> -> memref<13824x64xf32, #tpu.memory_space<hbm>>
    tpu.enqueue_indirect_dma source(%dma_start3A_19 : memref<13824x64xf32, #tpu.memory_space<hbm>>) target(%dma_start3A_13 : memref<128x64xf32, #tpu.memory_space<vmem>>) offsets(%dma_start3A_16 : memref<128xi32, #tpu.memory_space<vmem>>) semaphore(%arg7 : memref<!tpu.dma_semaphore, #tpu.memory_space<semaphore_mem>>)
    %dma_start3A_20 = arith.constant 2 : i32
    %dma_start3A_21 = arith.constant 256 : i32
    %dma_start3A_22 = arith.constant 0 : i32
    %dma_start3A_23 = tpu.memref_slice %arg6[%dma_start3A_21, %dma_start3A_22] : memref<1152x64xf32, #tpu.memory_space<vmem>> -> memref<128x64xf32, #tpu.memory_space<vmem>>
    %dma_start3A_24 = arith.constant 0 : i32
    %dma_start3A_25 = tpu.memref_slice %arg5[%dma_start3A_20, %dma_start3A_24] : memref<9x128xi32, #tpu.memory_space<vmem>> -> memref<1x128xi32, #tpu.memory_space<vmem>>
    %dma_start3A_26 = tpu.memref_squeeze %dma_start3A_25 : memref<1x128xi32, #tpu.memory_space<vmem>> -> memref<128xi32, #tpu.memory_space<vmem>>
    %dma_start3A_27 = arith.constant 0 : i32
    %dma_start3A_28 = arith.constant 0 : i32
    %dma_start3A_29 = tpu.memref_slice %arg2[%dma_start3A_27, %dma_start3A_28] : memref<13824x64xf32, #tpu.memory_space<hbm>> -> memref<13824x64xf32, #tpu.memory_space<hbm>>
    tpu.enqueue_indirect_dma source(%dma_start3A_29 : memref<13824x64xf32, #tpu.memory_space<hbm>>) target(%dma_start3A_23 : memref<128x64xf32, #tpu.memory_space<vmem>>) offsets(%dma_start3A_26 : memref<128xi32, #tpu.memory_space<vmem>>) semaphore(%arg7 : memref<!tpu.dma_semaphore, #tpu.memory_space<semaphore_mem>>)
    %dma_start3A_30 = arith.constant 3 : i32
    %dma_start3A_31 = arith.constant 384 : i32
    %dma_start3A_32 = arith.constant 0 : i32
    %dma_start3A_33 = tpu.memref_slice %arg6[%dma_start3A_31, %dma_start3A_32] : memref<1152x64xf32, #tpu.memory_space<vmem>> -> memref<128x64xf32, #tpu.memory_space<vmem>>
    %dma_start3A_34 = arith.constant 0 : i32
    %dma_start3A_35 = tpu.memref_slice %arg5[%dma_start3A_30, %dma_start3A_34] : memref<9x128xi32, #tpu.memory_space<vmem>> -> memref<1x128xi32, #tpu.memory_space<vmem>>
    %dma_start3A_36 = tpu.memref_squeeze %dma_start3A_35 : memref<1x128xi32, #tpu.memory_space<vmem>> -> memref<128xi32, #tpu.memory_space<vmem>>
    %dma_start3A_37 = arith.constant 0 : i32
    %dma_start3A_38 = arith.constant 0 : i32
    %dma_start3A_39 = tpu.memref_slice %arg2[%dma_start3A_37, %dma_start3A_38] : memref<13824x64xf32, #tpu.memory_space<hbm>> -> memref<13824x64xf32, #tpu.memory_space<hbm>>
    tpu.enqueue_indirect_dma source(%dma_start3A_39 : memref<13824x64xf32, #tpu.memory_space<hbm>>) target(%dma_start3A_33 : memref<128x64xf32, #tpu.memory_space<vmem>>) offsets(%dma_start3A_36 : memref<128xi32, #tpu.memory_space<vmem>>) semaphore(%arg7 : memref<!tpu.dma_semaphore, #tpu.memory_space<semaphore_mem>>)
    %dma_start3A_40 = arith.constant 4 : i32
    %dma_start3A_41 = arith.constant 512 : i32
    %dma_start3A_42 = arith.constant 0 : i32
    %dma_start3A_43 = tpu.memref_slice %arg6[%dma_start3A_41, %dma_start3A_42] : memref<1152x64xf32, #tpu.memory_space<vmem>> -> memref<128x64xf32, #tpu.memory_space<vmem>>
    %dma_start3A_44 = arith.constant 0 : i32
    %dma_start3A_45 = tpu.memref_slice %arg5[%dma_start3A_40, %dma_start3A_44] : memref<9x128xi32, #tpu.memory_space<vmem>> -> memref<1x128xi32, #tpu.memory_space<vmem>>
    %dma_start3A_46 = tpu.memref_squeeze %dma_start3A_45 : memref<1x128xi32, #tpu.memory_space<vmem>> -> memref<128xi32, #tpu.memory_space<vmem>>
    %dma_start3A_47 = arith.constant 0 : i32
    %dma_start3A_48 = arith.constant 0 : i32
    %dma_start3A_49 = tpu.memref_slice %arg2[%dma_start3A_47, %dma_start3A_48] : memref<13824x64xf32, #tpu.memory_space<hbm>> -> memref<13824x64xf32, #tpu.memory_space<hbm>>
    tpu.enqueue_indirect_dma source(%dma_start3A_49 : memref<13824x64xf32, #tpu.memory_space<hbm>>) target(%dma_start3A_43 : memref<128x64xf32, #tpu.memory_space<vmem>>) offsets(%dma_start3A_46 : memref<128xi32, #tpu.memory_space<vmem>>) semaphore(%arg7 : memref<!tpu.dma_semaphore, #tpu.memory_space<semaphore_mem>>)
    %dma_start3A_50 = arith.constant 5 : i32
    %dma_start3A_51 = arith.constant 640 : i32
    %dma_start3A_52 = arith.constant 0 : i32
    %dma_start3A_53 = tpu.memref_slice %arg6[%dma_start3A_51, %dma_start3A_52] : memref<1152x64xf32, #tpu.memory_space<vmem>> -> memref<128x64xf32, #tpu.memory_space<vmem>>
    %dma_start3A_54 = arith.constant 0 : i32
    %dma_start3A_55 = tpu.memref_slice %arg5[%dma_start3A_50, %dma_start3A_54] : memref<9x128xi32, #tpu.memory_space<vmem>> -> memref<1x128xi32, #tpu.memory_space<vmem>>
    %dma_start3A_56 = tpu.memref_squeeze %dma_start3A_55 : memref<1x128xi32, #tpu.memory_space<vmem>> -> memref<128xi32, #tpu.memory_space<vmem>>
    %dma_start3A_57 = arith.constant 0 : i32
    %dma_start3A_58 = arith.constant 0 : i32
    %dma_start3A_59 = tpu.memref_slice %arg2[%dma_start3A_57, %dma_start3A_58] : memref<13824x64xf32, #tpu.memory_space<hbm>> -> memref<13824x64xf32, #tpu.memory_space<hbm>>
    tpu.enqueue_indirect_dma source(%dma_start3A_59 : memref<13824x64xf32, #tpu.memory_space<hbm>>) target(%dma_start3A_53 : memref<128x64xf32, #tpu.memory_space<vmem>>) offsets(%dma_start3A_56 : memref<128xi32, #tpu.memory_space<vmem>>) semaphore(%arg7 : memref<!tpu.dma_semaphore, #tpu.memory_space<semaphore_mem>>)
    %dma_start3A_60 = arith.constant 6 : i32
    %dma_start3A_61 = arith.constant 768 : i32
    %dma_start3A_62 = arith.constant 0 : i32
    %dma_start3A_63 = tpu.memref_slice %arg6[%dma_start3A_61, %dma_start3A_62] : memref<1152x64xf32, #tpu.memory_space<vmem>> -> memref<128x64xf32, #tpu.memory_space<vmem>>
    %dma_start3A_64 = arith.constant 0 : i32
    %dma_start3A_65 = tpu.memref_slice %arg5[%dma_start3A_60, %dma_start3A_64] : memref<9x128xi32, #tpu.memory_space<vmem>> -> memref<1x128xi32, #tpu.memory_space<vmem>>
    %dma_start3A_66 = tpu.memref_squeeze %dma_start3A_65 : memref<1x128xi32, #tpu.memory_space<vmem>> -> memref<128xi32, #tpu.memory_space<vmem>>
    %dma_start3A_67 = arith.constant 0 : i32
    %dma_start3A_68 = arith.constant 0 : i32
    %dma_start3A_69 = tpu.memref_slice %arg2[%dma_start3A_67, %dma_start3A_68] : memref<13824x64xf32, #tpu.memory_space<hbm>> -> memref<13824x64xf32, #tpu.memory_space<hbm>>
    tpu.enqueue_indirect_dma source(%dma_start3A_69 : memref<13824x64xf32, #tpu.memory_space<hbm>>) target(%dma_start3A_63 : memref<128x64xf32, #tpu.memory_space<vmem>>) offsets(%dma_start3A_66 : memref<128xi32, #tpu.memory_space<vmem>>) semaphore(%arg7 : memref<!tpu.dma_semaphore, #tpu.memory_space<semaphore_mem>>)
    %dma_start3A_70 = arith.constant 7 : i32
    %dma_start3A_71 = arith.constant 896 : i32
    %dma_start3A_72 = arith.constant 0 : i32
    %dma_start3A_73 = tpu.memref_slice %arg6[%dma_start3A_71, %dma_start3A_72] : memref<1152x64xf32, #tpu.memory_space<vmem>> -> memref<128x64xf32, #tpu.memory_space<vmem>>
    %dma_start3A_74 = arith.constant 0 : i32
    %dma_start3A_75 = tpu.memref_slice %arg5[%dma_start3A_70, %dma_start3A_74] : memref<9x128xi32, #tpu.memory_space<vmem>> -> memref<1x128xi32, #tpu.memory_space<vmem>>
    %dma_start3A_76 = tpu.memref_squeeze %dma_start3A_75 : memref<1x128xi32, #tpu.memory_space<vmem>> -> memref<128xi32, #tpu.memory_space<vmem>>
    %dma_start3A_77 = arith.constant 0 : i32
    %dma_start3A_78 = arith.constant 0 : i32
    %dma_start3A_79 = tpu.memref_slice %arg2[%dma_start3A_77, %dma_start3A_78] : memref<13824x64xf32, #tpu.memory_space<hbm>> -> memref<13824x64xf32, #tpu.memory_space<hbm>>
    tpu.enqueue_indirect_dma source(%dma_start3A_79 : memref<13824x64xf32, #tpu.memory_space<hbm>>) target(%dma_start3A_73 : memref<128x64xf32, #tpu.memory_space<vmem>>) offsets(%dma_start3A_76 : memref<128xi32, #tpu.memory_space<vmem>>) semaphore(%arg7 : memref<!tpu.dma_semaphore, #tpu.memory_space<semaphore_mem>>)
    %dma_start3A_80 = arith.constant 8 : i32
    %dma_start3A_81 = arith.constant 1024 : i32
    %dma_start3A_82 = arith.constant 0 : i32
    %dma_start3A_83 = tpu.memref_slice %arg6[%dma_start3A_81, %dma_start3A_82] : memref<1152x64xf32, #tpu.memory_space<vmem>> -> memref<128x64xf32, #tpu.memory_space<vmem>>
    %dma_start3A_84 = arith.constant 0 : i32
    %dma_start3A_85 = tpu.memref_slice %arg5[%dma_start3A_80, %dma_start3A_84] : memref<9x128xi32, #tpu.memory_space<vmem>> -> memref<1x128xi32, #tpu.memory_space<vmem>>
    %dma_start3A_86 = tpu.memref_squeeze %dma_start3A_85 : memref<1x128xi32, #tpu.memory_space<vmem>> -> memref<128xi32, #tpu.memory_space<vmem>>
    %dma_start3A_87 = arith.constant 0 : i32
    %dma_start3A_88 = arith.constant 0 : i32
    %dma_start3A_89 = tpu.memref_slice %arg2[%dma_start3A_87, %dma_start3A_88] : memref<13824x64xf32, #tpu.memory_space<hbm>> -> memref<13824x64xf32, #tpu.memory_space<hbm>>
    tpu.enqueue_indirect_dma source(%dma_start3A_89 : memref<13824x64xf32, #tpu.memory_space<hbm>>) target(%dma_start3A_83 : memref<128x64xf32, #tpu.memory_space<vmem>>) offsets(%dma_start3A_86 : memref<128xi32, #tpu.memory_space<vmem>>) semaphore(%arg7 : memref<!tpu.dma_semaphore, #tpu.memory_space<semaphore_mem>>)
    %dma_wait3A = arith.constant 0 : i32
    %dma_wait3A_90 = arith.constant 0 : i32
    %dma_wait3A_91 = arith.constant 0 : i32
    %dma_wait3A_92 = tpu.memref_slice %arg6[%dma_wait3A_90, %dma_wait3A_91] : memref<1152x64xf32, #tpu.memory_space<vmem>> -> memref<128x64xf32, #tpu.memory_space<vmem>>
    %dma_wait3A_93 = arith.constant 0 : i32
    %dma_wait3A_94 = tpu.memref_slice %arg5[%dma_wait3A, %dma_wait3A_93] : memref<9x128xi32, #tpu.memory_space<vmem>> -> memref<1x128xi32, #tpu.memory_space<vmem>>
    %dma_wait3A_95 = tpu.memref_squeeze %dma_wait3A_94 : memref<1x128xi32, #tpu.memory_space<vmem>> -> memref<128xi32, #tpu.memory_space<vmem>>
    %dma_wait3A_96 = arith.constant 0 : i32
    %dma_wait3A_97 = arith.constant 0 : i32
    %dma_wait3A_98 = tpu.memref_slice %arg2[%dma_wait3A_96, %dma_wait3A_97] : memref<13824x64xf32, #tpu.memory_space<hbm>> -> memref<13824x64xf32, #tpu.memory_space<hbm>>
    tpu.wait_indirect_dma semaphore(%arg7 : memref<!tpu.dma_semaphore, #tpu.memory_space<semaphore_mem>>) src(%dma_wait3A_98 : memref<13824x64xf32, #tpu.memory_space<hbm>>) dst(%dma_wait3A_92 : memref<128x64xf32, #tpu.memory_space<vmem>>)
    %dma_wait3A_99 = arith.constant 1 : i32
    %dma_wait3A_100 = arith.constant 128 : i32
    %dma_wait3A_101 = arith.constant 0 : i32
    %dma_wait3A_102 = tpu.memref_slice %arg6[%dma_wait3A_100, %dma_wait3A_101] : memref<1152x64xf32, #tpu.memory_space<vmem>> -> memref<128x64xf32, #tpu.memory_space<vmem>>
    %dma_wait3A_103 = arith.constant 0 : i32
    %dma_wait3A_104 = tpu.memref_slice %arg5[%dma_wait3A_99, %dma_wait3A_103] : memref<9x128xi32, #tpu.memory_space<vmem>> -> memref<1x128xi32, #tpu.memory_space<vmem>>
    %dma_wait3A_105 = tpu.memref_squeeze %dma_wait3A_104 : memref<1x128xi32, #tpu.memory_space<vmem>> -> memref<128xi32, #tpu.memory_space<vmem>>
    %dma_wait3A_106 = arith.constant 0 : i32
    %dma_wait3A_107 = arith.constant 0 : i32
    %dma_wait3A_108 = tpu.memref_slice %arg2[%dma_wait3A_106, %dma_wait3A_107] : memref<13824x64xf32, #tpu.memory_space<hbm>> -> memref<13824x64xf32, #tpu.memory_space<hbm>>
    tpu.wait_indirect_dma semaphore(%arg7 : memref<!tpu.dma_semaphore, #tpu.memory_space<semaphore_mem>>) src(%dma_wait3A_108 : memref<13824x64xf32, #tpu.memory_space<hbm>>) dst(%dma_wait3A_102 : memref<128x64xf32, #tpu.memory_space<vmem>>)
    %dma_wait3A_109 = arith.constant 2 : i32
    %dma_wait3A_110 = arith.constant 256 : i32
    %dma_wait3A_111 = arith.constant 0 : i32
    %dma_wait3A_112 = tpu.memref_slice %arg6[%dma_wait3A_110, %dma_wait3A_111] : memref<1152x64xf32, #tpu.memory_space<vmem>> -> memref<128x64xf32, #tpu.memory_space<vmem>>
    %dma_wait3A_113 = arith.constant 0 : i32
    %dma_wait3A_114 = tpu.memref_slice %arg5[%dma_wait3A_109, %dma_wait3A_113] : memref<9x128xi32, #tpu.memory_space<vmem>> -> memref<1x128xi32, #tpu.memory_space<vmem>>
    %dma_wait3A_115 = tpu.memref_squeeze %dma_wait3A_114 : memref<1x128xi32, #tpu.memory_space<vmem>> -> memref<128xi32, #tpu.memory_space<vmem>>
    %dma_wait3A_116 = arith.constant 0 : i32
    %dma_wait3A_117 = arith.constant 0 : i32
    %dma_wait3A_118 = tpu.memref_slice %arg2[%dma_wait3A_116, %dma_wait3A_117] : memref<13824x64xf32, #tpu.memory_space<hbm>> -> memref<13824x64xf32, #tpu.memory_space<hbm>>
    tpu.wait_indirect_dma semaphore(%arg7 : memref<!tpu.dma_semaphore, #tpu.memory_space<semaphore_mem>>) src(%dma_wait3A_118 : memref<13824x64xf32, #tpu.memory_space<hbm>>) dst(%dma_wait3A_112 : memref<128x64xf32, #tpu.memory_space<vmem>>)
    %dma_wait3A_119 = arith.constant 3 : i32
    %dma_wait3A_120 = arith.constant 384 : i32
    %dma_wait3A_121 = arith.constant 0 : i32
    %dma_wait3A_122 = tpu.memref_slice %arg6[%dma_wait3A_120, %dma_wait3A_121] : memref<1152x64xf32, #tpu.memory_space<vmem>> -> memref<128x64xf32, #tpu.memory_space<vmem>>
    %dma_wait3A_123 = arith.constant 0 : i32
    %dma_wait3A_124 = tpu.memref_slice %arg5[%dma_wait3A_119, %dma_wait3A_123] : memref<9x128xi32, #tpu.memory_space<vmem>> -> memref<1x128xi32, #tpu.memory_space<vmem>>
    %dma_wait3A_125 = tpu.memref_squeeze %dma_wait3A_124 : memref<1x128xi32, #tpu.memory_space<vmem>> -> memref<128xi32, #tpu.memory_space<vmem>>
    %dma_wait3A_126 = arith.constant 0 : i32
    %dma_wait3A_127 = arith.constant 0 : i32
    %dma_wait3A_128 = tpu.memref_slice %arg2[%dma_wait3A_126, %dma_wait3A_127] : memref<13824x64xf32, #tpu.memory_space<hbm>> -> memref<13824x64xf32, #tpu.memory_space<hbm>>
    tpu.wait_indirect_dma semaphore(%arg7 : memref<!tpu.dma_semaphore, #tpu.memory_space<semaphore_mem>>) src(%dma_wait3A_128 : memref<13824x64xf32, #tpu.memory_space<hbm>>) dst(%dma_wait3A_122 : memref<128x64xf32, #tpu.memory_space<vmem>>)
    %dma_wait3A_129 = arith.constant 4 : i32
    %dma_wait3A_130 = arith.constant 512 : i32
    %dma_wait3A_131 = arith.constant 0 : i32
    %dma_wait3A_132 = tpu.memref_slice %arg6[%dma_wait3A_130, %dma_wait3A_131] : memref<1152x64xf32, #tpu.memory_space<vmem>> -> memref<128x64xf32, #tpu.memory_space<vmem>>
    %dma_wait3A_133 = arith.constant 0 : i32
    %dma_wait3A_134 = tpu.memref_slice %arg5[%dma_wait3A_129, %dma_wait3A_133] : memref<9x128xi32, #tpu.memory_space<vmem>> -> memref<1x128xi32, #tpu.memory_space<vmem>>
    %dma_wait3A_135 = tpu.memref_squeeze %dma_wait3A_134 : memref<1x128xi32, #tpu.memory_space<vmem>> -> memref<128xi32, #tpu.memory_space<vmem>>
    %dma_wait3A_136 = arith.constant 0 : i32
    %dma_wait3A_137 = arith.constant 0 : i32
    %dma_wait3A_138 = tpu.memref_slice %arg2[%dma_wait3A_136, %dma_wait3A_137] : memref<13824x64xf32, #tpu.memory_space<hbm>> -> memref<13824x64xf32, #tpu.memory_space<hbm>>
    tpu.wait_indirect_dma semaphore(%arg7 : memref<!tpu.dma_semaphore, #tpu.memory_space<semaphore_mem>>) src(%dma_wait3A_138 : memref<13824x64xf32, #tpu.memory_space<hbm>>) dst(%dma_wait3A_132 : memref<128x64xf32, #tpu.memory_space<vmem>>)
    %dma_wait3A_139 = arith.constant 5 : i32
    %dma_wait3A_140 = arith.constant 640 : i32
    %dma_wait3A_141 = arith.constant 0 : i32
    %dma_wait3A_142 = tpu.memref_slice %arg6[%dma_wait3A_140, %dma_wait3A_141] : memref<1152x64xf32, #tpu.memory_space<vmem>> -> memref<128x64xf32, #tpu.memory_space<vmem>>
    %dma_wait3A_143 = arith.constant 0 : i32
    %dma_wait3A_144 = tpu.memref_slice %arg5[%dma_wait3A_139, %dma_wait3A_143] : memref<9x128xi32, #tpu.memory_space<vmem>> -> memref<1x128xi32, #tpu.memory_space<vmem>>
    %dma_wait3A_145 = tpu.memref_squeeze %dma_wait3A_144 : memref<1x128xi32, #tpu.memory_space<vmem>> -> memref<128xi32, #tpu.memory_space<vmem>>
    %dma_wait3A_146 = arith.constant 0 : i32
    %dma_wait3A_147 = arith.constant 0 : i32
    %dma_wait3A_148 = tpu.memref_slice %arg2[%dma_wait3A_146, %dma_wait3A_147] : memref<13824x64xf32, #tpu.memory_space<hbm>> -> memref<13824x64xf32, #tpu.memory_space<hbm>>
    tpu.wait_indirect_dma semaphore(%arg7 : memref<!tpu.dma_semaphore, #tpu.memory_space<semaphore_mem>>) src(%dma_wait3A_148 : memref<13824x64xf32, #tpu.memory_space<hbm>>) dst(%dma_wait3A_142 : memref<128x64xf32, #tpu.memory_space<vmem>>)
    %dma_wait3A_149 = arith.constant 6 : i32
    %dma_wait3A_150 = arith.constant 768 : i32
    %dma_wait3A_151 = arith.constant 0 : i32
    %dma_wait3A_152 = tpu.memref_slice %arg6[%dma_wait3A_150, %dma_wait3A_151] : memref<1152x64xf32, #tpu.memory_space<vmem>> -> memref<128x64xf32, #tpu.memory_space<vmem>>
    %dma_wait3A_153 = arith.constant 0 : i32
    %dma_wait3A_154 = tpu.memref_slice %arg5[%dma_wait3A_149, %dma_wait3A_153] : memref<9x128xi32, #tpu.memory_space<vmem>> -> memref<1x128xi32, #tpu.memory_space<vmem>>
    %dma_wait3A_155 = tpu.memref_squeeze %dma_wait3A_154 : memref<1x128xi32, #tpu.memory_space<vmem>> -> memref<128xi32, #tpu.memory_space<vmem>>
    %dma_wait3A_156 = arith.constant 0 : i32
    %dma_wait3A_157 = arith.constant 0 : i32
    %dma_wait3A_158 = tpu.memref_slice %arg2[%dma_wait3A_156, %dma_wait3A_157] : memref<13824x64xf32, #tpu.memory_space<hbm>> -> memref<13824x64xf32, #tpu.memory_space<hbm>>
    tpu.wait_indirect_dma semaphore(%arg7 : memref<!tpu.dma_semaphore, #tpu.memory_space<semaphore_mem>>) src(%dma_wait3A_158 : memref<13824x64xf32, #tpu.memory_space<hbm>>) dst(%dma_wait3A_152 : memref<128x64xf32, #tpu.memory_space<vmem>>)
    %dma_wait3A_159 = arith.constant 7 : i32
    %dma_wait3A_160 = arith.constant 896 : i32
    %dma_wait3A_161 = arith.constant 0 : i32
    %dma_wait3A_162 = tpu.memref_slice %arg6[%dma_wait3A_160, %dma_wait3A_161] : memref<1152x64xf32, #tpu.memory_space<vmem>> -> memref<128x64xf32, #tpu.memory_space<vmem>>
    %dma_wait3A_163 = arith.constant 0 : i32
    %dma_wait3A_164 = tpu.memref_slice %arg5[%dma_wait3A_159, %dma_wait3A_163] : memref<9x128xi32, #tpu.memory_space<vmem>> -> memref<1x128xi32, #tpu.memory_space<vmem>>
    %dma_wait3A_165 = tpu.memref_squeeze %dma_wait3A_164 : memref<1x128xi32, #tpu.memory_space<vmem>> -> memref<128xi32, #tpu.memory_space<vmem>>
    %dma_wait3A_166 = arith.constant 0 : i32
    %dma_wait3A_167 = arith.constant 0 : i32
    %dma_wait3A_168 = tpu.memref_slice %arg2[%dma_wait3A_166, %dma_wait3A_167] : memref<13824x64xf32, #tpu.memory_space<hbm>> -> memref<13824x64xf32, #tpu.memory_space<hbm>>
    tpu.wait_indirect_dma semaphore(%arg7 : memref<!tpu.dma_semaphore, #tpu.memory_space<semaphore_mem>>) src(%dma_wait3A_168 : memref<13824x64xf32, #tpu.memory_space<hbm>>) dst(%dma_wait3A_162 : memref<128x64xf32, #tpu.memory_space<vmem>>)
    %dma_wait3A_169 = arith.constant 8 : i32
    %dma_wait3A_170 = arith.constant 1024 : i32
    %dma_wait3A_171 = arith.constant 0 : i32
    %dma_wait3A_172 = tpu.memref_slice %arg6[%dma_wait3A_170, %dma_wait3A_171] : memref<1152x64xf32, #tpu.memory_space<vmem>> -> memref<128x64xf32, #tpu.memory_space<vmem>>
    %dma_wait3A_173 = arith.constant 0 : i32
    %dma_wait3A_174 = tpu.memref_slice %arg5[%dma_wait3A_169, %dma_wait3A_173] : memref<9x128xi32, #tpu.memory_space<vmem>> -> memref<1x128xi32, #tpu.memory_space<vmem>>
    %dma_wait3A_175 = tpu.memref_squeeze %dma_wait3A_174 : memref<1x128xi32, #tpu.memory_space<vmem>> -> memref<128xi32, #tpu.memory_space<vmem>>
    %dma_wait3A_176 = arith.constant 0 : i32
    %dma_wait3A_177 = arith.constant 0 : i32
    %dma_wait3A_178 = tpu.memref_slice %arg2[%dma_wait3A_176, %dma_wait3A_177] : memref<13824x64xf32, #tpu.memory_space<hbm>> -> memref<13824x64xf32, #tpu.memory_space<hbm>>
    tpu.wait_indirect_dma semaphore(%arg7 : memref<!tpu.dma_semaphore, #tpu.memory_space<semaphore_mem>>) src(%dma_wait3A_178 : memref<13824x64xf32, #tpu.memory_space<hbm>>) dst(%dma_wait3A_172 : memref<128x64xf32, #tpu.memory_space<vmem>>)
    %mul3A_179 = arith.constant 1152 : i32
    %mul3A_180 = arith.muli %add3A, %mul3A_179 : i32
    "tpu.region"() ({
      %run_scoped3A = tpu.sem_alloc : memref<!tpu.dma_semaphore, #tpu.memory_space<semaphore_mem>>
      %dma_start3A_181 = arith.constant 0 : i32
      %dma_start3A_182 = tpu.memref_slice %arg4[%mul3A_180, %dma_start3A_181] : memref<36864x64xf32, #tpu.memory_space<hbm>> -> memref<1152x64xf32, #tpu.memory_space<hbm>>
      %dma_start3A_183 = arith.constant 0 : i32
      %dma_start3A_184 = tpu.memref_slice %arg4[%mul3A_180, %dma_start3A_183] : memref<36864x64xf32, #tpu.memory_space<hbm>> -> memref<1152x64xf32, #tpu.memory_space<hbm>>
      tpu.enqueue_dma source(%arg6 : memref<1152x64xf32, #tpu.memory_space<vmem>>) target(%dma_start3A_184 : memref<1152x64xf32, #tpu.memory_space<hbm>>) target_semaphore(%run_scoped3A : memref<!tpu.dma_semaphore, #tpu.memory_space<semaphore_mem>>)
      %dma_wait3A_185 = arith.constant 0 : i32
      %dma_wait3A_186 = tpu.memref_slice %arg4[%mul3A_180, %dma_wait3A_185] : memref<36864x64xf32, #tpu.memory_space<hbm>> -> memref<1152x64xf32, #tpu.memory_space<hbm>>
      %dma_wait3A_187 = arith.constant 0 : i32
      %dma_wait3A_188 = tpu.memref_slice %arg4[%mul3A_180, %dma_wait3A_187] : memref<36864x64xf32, #tpu.memory_space<hbm>> -> memref<1152x64xf32, #tpu.memory_space<hbm>>
      tpu.wait_dma2 semaphore(%run_scoped3A : memref<!tpu.dma_semaphore, #tpu.memory_space<semaphore_mem>>) src(%arg6 : memref<1152x64xf32, #tpu.memory_space<vmem>>) dst(%dma_wait3A_188 : memref<1152x64xf32, #tpu.memory_space<hbm>>)
      tpu.yield
    }) : () -> ()
    return
  }
}

module attributes {stable_mosaic.version = 14 : i64} {
  func.func @_argmin_kernel(%arg0: i32, %arg1: memref<64xi32, #tpu.memory_space<smem>>, %arg2: memref<64xi32, #tpu.memory_space<smem>>, %arg3: memref<1x64x576xbf16, #tpu.memory_space<vmem>>, %arg4: memref<1x1x576xf32, #tpu.memory_space<vmem>>, %arg5: memref<13824x64xbf16, #tpu.memory_space<vmem>>, %arg6: memref<13824x1xf32, #tpu.memory_space<vmem>>, %arg7: memref<1x1x576xi32, #tpu.memory_space<vmem>>, %arg8: memref<1x1x576xi32, #tpu.memory_space<vmem>>, %arg9: memref<1x1xf32, #tpu.memory_space<smem>>, %arg10: memref<576xf32, #tpu.memory_space<vmem>>, %arg11: memref<576xi32, #tpu.memory_space<vmem>>, %arg12: memref<576xf32, #tpu.memory_space<vmem>>, %arg13: memref<1xf32, #tpu.memory_space<smem>>) attributes {dimension_semantics = [#tpu.dimension_semantics<arbitrary>], iteration_bounds = array<i64: 64>, scalar_prefetch = 0 : i64, scratch_operands = 4 : i64, tpu.core_type = #tpu.core_type<tc>, window_params = [{transform_indices = @transform_0, window_bounds = array<i64: 64>}, {transform_indices = @transform_1, window_bounds = array<i64: 64>}, {transform_indices = @transform_2, window_bounds = array<i64: 1, 64, 576>}, {transform_indices = @transform_3, window_bounds = array<i64: 1, 1, 576>}, {pipeline_mode = #tpu.pipeline_mode<synchronous>, transform_indices = @transform_4, window_bounds = array<i64: 13824, 64>}, {pipeline_mode = #tpu.pipeline_mode<synchronous>, transform_indices = @transform_5, window_bounds = array<i64: 13824, 1>}, {transform_indices = @transform_6, window_bounds = array<i64: 1, 1, 576>}, {transform_indices = @transform_7, window_bounds = array<i64: 1, 1, 576>}, {transform_indices = @transform_8, window_bounds = array<i64: 1, 1>}]} {
    %get3A = arith.index_cast %arg0 : i32 to index
    %get3A_0 = memref.load %arg1[%get3A] : memref<64xi32, #tpu.memory_space<smem>>
    %get3A_1 = arith.index_cast %arg0 : i32 to index
    %get3A_2 = memref.load %arg2[%get3A_1] : memref<64xi32, #tpu.memory_space<smem>>
    %get3A_3 = arith.constant 0 : index
    %get3A_4 = arith.constant 0 : index
    %get3A_5 = arith.constant 0 : index
    %get3A_6 = vector.load %arg3[%get3A_3, %get3A_4, %get3A_5] : memref<1x64x576xbf16, #tpu.memory_space<vmem>>, vector<1x64x576xbf16>
    %get3A_7 = vector.shape_cast %get3A_6 : vector<1x64x576xbf16> to vector<64x576xbf16>
    %get3A_8 = arith.constant 0 : index
    %get3A_9 = arith.constant 0 : index
    %get3A_10 = arith.constant 0 : index
    %get3A_11 = vector.load %arg4[%get3A_8, %get3A_9, %get3A_10] : memref<1x1x576xf32, #tpu.memory_space<vmem>>, vector<1x1x576xf32>
    %get3A_12 = vector.shape_cast %get3A_11 : vector<1x1x576xf32> to vector<1x576xf32>
    %broadcast_in_dim3A = arith.constant 0x7F800000 : f32
    %broadcast_in_dim3A_13 = vector.broadcast %broadcast_in_dim3A : f32 to vector<576xf32>
    %swap3A = arith.constant 0 : index
    %swap3A_14 = vector.load %arg10[%swap3A] : memref<576xf32, #tpu.memory_space<vmem>>, vector<576xf32>
    tpu.vector_store %arg10[%swap3A], %broadcast_in_dim3A_13 {strides = array<i32>} : memref<576xf32, #tpu.memory_space<vmem>>, vector<576xf32>,
    %broadcast_in_dim3A_15 = arith.constant 0 : i32
    %broadcast_in_dim3A_16 = vector.broadcast %broadcast_in_dim3A_15 : i32 to vector<576xi32>
    %swap3A_17 = arith.constant 0 : index
    %swap3A_18 = vector.load %arg11[%swap3A_17] : memref<576xi32, #tpu.memory_space<vmem>>, vector<576xi32>
    tpu.vector_store %arg11[%swap3A_17], %broadcast_in_dim3A_16 {strides = array<i32>} : memref<576xi32, #tpu.memory_space<vmem>>, vector<576xi32>,
    %broadcast_in_dim3A_19 = arith.constant 0.000000e+00 : f32
    %broadcast_in_dim3A_20 = vector.broadcast %broadcast_in_dim3A_19 : f32 to vector<576xf32>
    %swap3A_21 = arith.constant 0 : index
    %swap3A_22 = vector.load %arg12[%swap3A_21] : memref<576xf32, #tpu.memory_space<vmem>>, vector<576xf32>
    tpu.vector_store %arg12[%swap3A_21], %broadcast_in_dim3A_20 {strides = array<i32>} : memref<576xf32, #tpu.memory_space<vmem>>, vector<576xf32>,
    %iota3A = tpu.iota {dimensions = array<i32: 0>} : vector<64x576xi32>
    %convert_element_type3A = arith.sitofp %iota3A : vector<64x576xi32> to vector<64x576xf32>
    %while3A = arith.constant 0 : i32
    %while3A_23 = arith.constant 0 : i32
    %while3A_24 = arith.subi %get3A_2, %while3A : i32
    %while3A_25 = arith.addi %while3A, %while3A_24 : i32
    %while3A_26 = arith.constant 1 : i32
    %while3A_27 = arith.divsi %while3A_24, %while3A_26 : i32
    %while3A_28 = arith.muli %while3A_27, %while3A_26 : i32
    %while3A_29 = arith.addi %while3A, %while3A_28 : i32
    %while3A_30 = arith.constant 1 : i32
    %while3A_31 = scf.for %while3A_70 = %while3A to %while3A_29 step %while3A_30 iter_args(%while3A_71 = %while3A_23) -> (i32)  : i32 {
      %mul3A = arith.constant 512 : i32
      %mul3A_72 = arith.muli %while3A_70, %mul3A : i32
      %add3A_73 = arith.addi %get3A_0, %mul3A_72 : i32
      %multiple_of3A = tpu.assume_multiple %add3A_73, 512 : i32
      %add3A_74 = arith.constant 0 : i32
      %add3A_75 = arith.addi %multiple_of3A, %add3A_74 : i32
      %multiple_of3A_76 = tpu.assume_multiple %add3A_75, 64 : i32
      %get3A_77 = arith.index_cast %multiple_of3A_76 : i32 to index
      %get3A_78 = arith.constant 0 : index
      %get3A_79 = vector.load %arg5[%get3A_77, %get3A_78] : memref<13824x64xbf16, #tpu.memory_space<vmem>>, vector<64x64xbf16>
      %get3A_80 = arith.index_cast %multiple_of3A_76 : i32 to index
      %get3A_81 = arith.constant 0 : index
      %get3A_82 = vector.load %arg6[%get3A_80, %get3A_81] : memref<13824x1xf32, #tpu.memory_space<vmem>>, vector<64x1xf32>
      %dot_general3A = arith.constant dense<0.000000e+00> : vector<64x576xf32>
      %dot_general3A_83 = tpu.matmul %get3A_79, %get3A_7, %dot_general3A {dimension_numbers = #tpu.dot_dimension_numbers<[1], [0], [0], [1], [0, 0, 1, 1], [], []>, transpose_lhs_hint = false} : vector<64x64xbf16>, vector<64x576xbf16>, vector<64x576xf32> -> vector<64x576xf32>
      %add3A_84 = vector.broadcast %get3A_12 : vector<1x576xf32> to vector<64x576xf32>
      %add3A_85 = vector.broadcast %get3A_82 : vector<64x1xf32> to vector<64x576xf32>
      %add3A_86 = arith.addf %add3A_84, %add3A_85 : vector<64x576xf32>
      %sub3A = arith.subf %add3A_86, %dot_general3A_83 : vector<64x576xf32>
      %reduce_min3A = arith.constant dense<0x7F800000> : vector<576xf32>
      %reduce_min3A_87 = vector.multi_reduction <minimumf>, %sub3A, %reduce_min3A [0] : vector<64x576xf32> to vector<576xf32>
      %broadcast_in_dim3A_88 = vector.shape_cast %reduce_min3A_87 : vector<576xf32> to vector<1x576xf32>
      %eq3A_89 = vector.broadcast %broadcast_in_dim3A_88 : vector<1x576xf32> to vector<64x576xf32>
      %eq3A_90 = arith.cmpf oeq, %sub3A, %eq3A_89 : vector<64x576xf32>
      %jit3A = arith.constant 3.000000e+38 : f32
      %broadcast_in_dim3A_91 = vector.broadcast %jit3A : f32 to vector<64x576xf32>
      %select_n3A = arith.select %eq3A_90, %convert_element_type3A, %broadcast_in_dim3A_91 : vector<64x576xi1>, vector<64x576xf32>
      %reduce_min3A_92 = arith.constant dense<0x7F800000> : vector<576xf32>
      %reduce_min3A_93 = vector.multi_reduction <minimumf>, %select_n3A, %reduce_min3A_92 [0] : vector<64x576xf32> to vector<576xf32>
      %add3A_94 = arith.constant 0.000000e+00 : f32
      %add3A_95 = vector.broadcast %add3A_94 : f32 to vector<576xf32>
      %add3A_96 = arith.addf %reduce_min3A_93, %add3A_95 : vector<576xf32>
      %add3A_97 = arith.constant 64 : i32
      %add3A_98 = arith.addi %multiple_of3A, %add3A_97 : i32
      %multiple_of3A_99 = tpu.assume_multiple %add3A_98, 64 : i32
      %get3A_100 = arith.index_cast %multiple_of3A_99 : i32 to index
      %get3A_101 = arith.constant 0 : index
      %get3A_102 = vector.load %arg5[%get3A_100, %get3A_101] : memref<13824x64xbf16, #tpu.memory_space<vmem>>, vector<64x64xbf16>
      %get3A_103 = arith.index_cast %multiple_of3A_99 : i32 to index
      %get3A_104 = arith.constant 0 : index
      %get3A_105 = vector.load %arg6[%get3A_103, %get3A_104] : memref<13824x1xf32, #tpu.memory_space<vmem>>, vector<64x1xf32>
      %dot_general3A_106 = arith.constant dense<0.000000e+00> : vector<64x576xf32>
      %dot_general3A_107 = tpu.matmul %get3A_102, %get3A_7, %dot_general3A_106 {dimension_numbers = #tpu.dot_dimension_numbers<[1], [0], [0], [1], [0, 0, 1, 1], [], []>, transpose_lhs_hint = false} : vector<64x64xbf16>, vector<64x576xbf16>, vector<64x576xf32> -> vector<64x576xf32>
      %add3A_108 = vector.broadcast %get3A_12 : vector<1x576xf32> to vector<64x576xf32>
      %add3A_109 = vector.broadcast %get3A_105 : vector<64x1xf32> to vector<64x576xf32>
      %add3A_110 = arith.addf %add3A_108, %add3A_109 : vector<64x576xf32>
      %sub3A_111 = arith.subf %add3A_110, %dot_general3A_107 : vector<64x576xf32>
      %reduce_min3A_112 = arith.constant dense<0x7F800000> : vector<576xf32>
      %reduce_min3A_113 = vector.multi_reduction <minimumf>, %sub3A_111, %reduce_min3A_112 [0] : vector<64x576xf32> to vector<576xf32>
      %broadcast_in_dim3A_114 = vector.shape_cast %reduce_min3A_113 : vector<576xf32> to vector<1x576xf32>
      %eq3A_115 = vector.broadcast %broadcast_in_dim3A_114 : vector<1x576xf32> to vector<64x576xf32>
      %eq3A_116 = arith.cmpf oeq, %sub3A_111, %eq3A_115 : vector<64x576xf32>
      %jit3A_117 = arith.constant 3.000000e+38 : f32
      %broadcast_in_dim3A_118 = vector.broadcast %jit3A_117 : f32 to vector<64x576xf32>
      %select_n3A_119 = arith.select %eq3A_116, %convert_element_type3A, %broadcast_in_dim3A_118 : vector<64x576xi1>, vector<64x576xf32>
      %reduce_min3A_120 = arith.constant dense<0x7F800000> : vector<576xf32>
      %reduce_min3A_121 = vector.multi_reduction <minimumf>, %select_n3A_119, %reduce_min3A_120 [0] : vector<64x576xf32> to vector<576xf32>
      %add3A_122 = arith.constant 6.400000e+01 : f32
      %add3A_123 = vector.broadcast %add3A_122 : f32 to vector<576xf32>
      %add3A_124 = arith.addf %reduce_min3A_121, %add3A_123 : vector<576xf32>
      %add3A_125 = arith.constant 128 : i32
      %add3A_126 = arith.addi %multiple_of3A, %add3A_125 : i32
      %multiple_of3A_127 = tpu.assume_multiple %add3A_126, 64 : i32
      %get3A_128 = arith.index_cast %multiple_of3A_127 : i32 to index
      %get3A_129 = arith.constant 0 : index
      %get3A_130 = vector.load %arg5[%get3A_128, %get3A_129] : memref<13824x64xbf16, #tpu.memory_space<vmem>>, vector<64x64xbf16>
      %get3A_131 = arith.index_cast %multiple_of3A_127 : i32 to index
      %get3A_132 = arith.constant 0 : index
      %get3A_133 = vector.load %arg6[%get3A_131, %get3A_132] : memref<13824x1xf32, #tpu.memory_space<vmem>>, vector<64x1xf32>
      %dot_general3A_134 = arith.constant dense<0.000000e+00> : vector<64x576xf32>
      %dot_general3A_135 = tpu.matmul %get3A_130, %get3A_7, %dot_general3A_134 {dimension_numbers = #tpu.dot_dimension_numbers<[1], [0], [0], [1], [0, 0, 1, 1], [], []>, transpose_lhs_hint = false} : vector<64x64xbf16>, vector<64x576xbf16>, vector<64x576xf32> -> vector<64x576xf32>
      %add3A_136 = vector.broadcast %get3A_12 : vector<1x576xf32> to vector<64x576xf32>
      %add3A_137 = vector.broadcast %get3A_133 : vector<64x1xf32> to vector<64x576xf32>
      %add3A_138 = arith.addf %add3A_136, %add3A_137 : vector<64x576xf32>
      %sub3A_139 = arith.subf %add3A_138, %dot_general3A_135 : vector<64x576xf32>
      %reduce_min3A_140 = arith.constant dense<0x7F800000> : vector<576xf32>
      %reduce_min3A_141 = vector.multi_reduction <minimumf>, %sub3A_139, %reduce_min3A_140 [0] : vector<64x576xf32> to vector<576xf32>
      %broadcast_in_dim3A_142 = vector.shape_cast %reduce_min3A_141 : vector<576xf32> to vector<1x576xf32>
      %eq3A_143 = vector.broadcast %broadcast_in_dim3A_142 : vector<1x576xf32> to vector<64x576xf32>
      %eq3A_144 = arith.cmpf oeq, %sub3A_139, %eq3A_143 : vector<64x576xf32>
      %jit3A_145 = arith.constant 3.000000e+38 : f32
      %broadcast_in_dim3A_146 = vector.broadcast %jit3A_145 : f32 to vector<64x576xf32>
      %select_n3A_147 = arith.select %eq3A_144, %convert_element_type3A, %broadcast_in_dim3A_146 : vector<64x576xi1>, vector<64x576xf32>
      %reduce_min3A_148 = arith.constant dense<0x7F800000> : vector<576xf32>
      %reduce_min3A_149 = vector.multi_reduction <minimumf>, %select_n3A_147, %reduce_min3A_148 [0] : vector<64x576xf32> to vector<576xf32>
      %add3A_150 = arith.constant 1.280000e+02 : f32
      %add3A_151 = vector.broadcast %add3A_150 : f32 to vector<576xf32>
      %add3A_152 = arith.addf %reduce_min3A_149, %add3A_151 : vector<576xf32>
      %add3A_153 = arith.constant 192 : i32
      %add3A_154 = arith.addi %multiple_of3A, %add3A_153 : i32
      %multiple_of3A_155 = tpu.assume_multiple %add3A_154, 64 : i32
      %get3A_156 = arith.index_cast %multiple_of3A_155 : i32 to index
      %get3A_157 = arith.constant 0 : index
      %get3A_158 = vector.load %arg5[%get3A_156, %get3A_157] : memref<13824x64xbf16, #tpu.memory_space<vmem>>, vector<64x64xbf16>
      %get3A_159 = arith.index_cast %multiple_of3A_155 : i32 to index
      %get3A_160 = arith.constant 0 : index
      %get3A_161 = vector.load %arg6[%get3A_159, %get3A_160] : memref<13824x1xf32, #tpu.memory_space<vmem>>, vector<64x1xf32>
      %dot_general3A_162 = arith.constant dense<0.000000e+00> : vector<64x576xf32>
      %dot_general3A_163 = tpu.matmul %get3A_158, %get3A_7, %dot_general3A_162 {dimension_numbers = #tpu.dot_dimension_numbers<[1], [0], [0], [1], [0, 0, 1, 1], [], []>, transpose_lhs_hint = false} : vector<64x64xbf16>, vector<64x576xbf16>, vector<64x576xf32> -> vector<64x576xf32>
      %add3A_164 = vector.broadcast %get3A_12 : vector<1x576xf32> to vector<64x576xf32>
      %add3A_165 = vector.broadcast %get3A_161 : vector<64x1xf32> to vector<64x576xf32>
      %add3A_166 = arith.addf %add3A_164, %add3A_165 : vector<64x576xf32>
      %sub3A_167 = arith.subf %add3A_166, %dot_general3A_163 : vector<64x576xf32>
      %reduce_min3A_168 = arith.constant dense<0x7F800000> : vector<576xf32>
      %reduce_min3A_169 = vector.multi_reduction <minimumf>, %sub3A_167, %reduce_min3A_168 [0] : vector<64x576xf32> to vector<576xf32>
      %broadcast_in_dim3A_170 = vector.shape_cast %reduce_min3A_169 : vector<576xf32> to vector<1x576xf32>
      %eq3A_171 = vector.broadcast %broadcast_in_dim3A_170 : vector<1x576xf32> to vector<64x576xf32>
      %eq3A_172 = arith.cmpf oeq, %sub3A_167, %eq3A_171 : vector<64x576xf32>
      %jit3A_173 = arith.constant 3.000000e+38 : f32
      %broadcast_in_dim3A_174 = vector.broadcast %jit3A_173 : f32 to vector<64x576xf32>
      %select_n3A_175 = arith.select %eq3A_172, %convert_element_type3A, %broadcast_in_dim3A_174 : vector<64x576xi1>, vector<64x576xf32>
      %reduce_min3A_176 = arith.constant dense<0x7F800000> : vector<576xf32>
      %reduce_min3A_177 = vector.multi_reduction <minimumf>, %select_n3A_175, %reduce_min3A_176 [0] : vector<64x576xf32> to vector<576xf32>
      %add3A_178 = arith.constant 1.920000e+02 : f32
      %add3A_179 = vector.broadcast %add3A_178 : f32 to vector<576xf32>
      %add3A_180 = arith.addf %reduce_min3A_177, %add3A_179 : vector<576xf32>
      %add3A_181 = arith.constant 256 : i32
      %add3A_182 = arith.addi %multiple_of3A, %add3A_181 : i32
      %multiple_of3A_183 = tpu.assume_multiple %add3A_182, 64 : i32
      %get3A_184 = arith.index_cast %multiple_of3A_183 : i32 to index
      %get3A_185 = arith.constant 0 : index
      %get3A_186 = vector.load %arg5[%get3A_184, %get3A_185] : memref<13824x64xbf16, #tpu.memory_space<vmem>>, vector<64x64xbf16>
      %get3A_187 = arith.index_cast %multiple_of3A_183 : i32 to index
      %get3A_188 = arith.constant 0 : index
      %get3A_189 = vector.load %arg6[%get3A_187, %get3A_188] : memref<13824x1xf32, #tpu.memory_space<vmem>>, vector<64x1xf32>
      %dot_general3A_190 = arith.constant dense<0.000000e+00> : vector<64x576xf32>
      %dot_general3A_191 = tpu.matmul %get3A_186, %get3A_7, %dot_general3A_190 {dimension_numbers = #tpu.dot_dimension_numbers<[1], [0], [0], [1], [0, 0, 1, 1], [], []>, transpose_lhs_hint = false} : vector<64x64xbf16>, vector<64x576xbf16>, vector<64x576xf32> -> vector<64x576xf32>
      %add3A_192 = vector.broadcast %get3A_12 : vector<1x576xf32> to vector<64x576xf32>
      %add3A_193 = vector.broadcast %get3A_189 : vector<64x1xf32> to vector<64x576xf32>
      %add3A_194 = arith.addf %add3A_192, %add3A_193 : vector<64x576xf32>
      %sub3A_195 = arith.subf %add3A_194, %dot_general3A_191 : vector<64x576xf32>
      %reduce_min3A_196 = arith.constant dense<0x7F800000> : vector<576xf32>
      %reduce_min3A_197 = vector.multi_reduction <minimumf>, %sub3A_195, %reduce_min3A_196 [0] : vector<64x576xf32> to vector<576xf32>
      %broadcast_in_dim3A_198 = vector.shape_cast %reduce_min3A_197 : vector<576xf32> to vector<1x576xf32>
      %eq3A_199 = vector.broadcast %broadcast_in_dim3A_198 : vector<1x576xf32> to vector<64x576xf32>
      %eq3A_200 = arith.cmpf oeq, %sub3A_195, %eq3A_199 : vector<64x576xf32>
      %jit3A_201 = arith.constant 3.000000e+38 : f32
      %broadcast_in_dim3A_202 = vector.broadcast %jit3A_201 : f32 to vector<64x576xf32>
      %select_n3A_203 = arith.select %eq3A_200, %convert_element_type3A, %broadcast_in_dim3A_202 : vector<64x576xi1>, vector<64x576xf32>
      %reduce_min3A_204 = arith.constant dense<0x7F800000> : vector<576xf32>
      %reduce_min3A_205 = vector.multi_reduction <minimumf>, %select_n3A_203, %reduce_min3A_204 [0] : vector<64x576xf32> to vector<576xf32>
      %add3A_206 = arith.constant 2.560000e+02 : f32
      %add3A_207 = vector.broadcast %add3A_206 : f32 to vector<576xf32>
      %add3A_208 = arith.addf %reduce_min3A_205, %add3A_207 : vector<576xf32>
      %add3A_209 = arith.constant 320 : i32
      %add3A_210 = arith.addi %multiple_of3A, %add3A_209 : i32
      %multiple_of3A_211 = tpu.assume_multiple %add3A_210, 64 : i32
      %get3A_212 = arith.index_cast %multiple_of3A_211 : i32 to index
      %get3A_213 = arith.constant 0 : index
      %get3A_214 = vector.load %arg5[%get3A_212, %get3A_213] : memref<13824x64xbf16, #tpu.memory_space<vmem>>, vector<64x64xbf16>
      %get3A_215 = arith.index_cast %multiple_of3A_211 : i32 to index
      %get3A_216 = arith.constant 0 : index
      %get3A_217 = vector.load %arg6[%get3A_215, %get3A_216] : memref<13824x1xf32, #tpu.memory_space<vmem>>, vector<64x1xf32>
      %dot_general3A_218 = arith.constant dense<0.000000e+00> : vector<64x576xf32>
      %dot_general3A_219 = tpu.matmul %get3A_214, %get3A_7, %dot_general3A_218 {dimension_numbers = #tpu.dot_dimension_numbers<[1], [0], [0], [1], [0, 0, 1, 1], [], []>, transpose_lhs_hint = false} : vector<64x64xbf16>, vector<64x576xbf16>, vector<64x576xf32> -> vector<64x576xf32>
      %add3A_220 = vector.broadcast %get3A_12 : vector<1x576xf32> to vector<64x576xf32>
      %add3A_221 = vector.broadcast %get3A_217 : vector<64x1xf32> to vector<64x576xf32>
      %add3A_222 = arith.addf %add3A_220, %add3A_221 : vector<64x576xf32>
      %sub3A_223 = arith.subf %add3A_222, %dot_general3A_219 : vector<64x576xf32>
      %reduce_min3A_224 = arith.constant dense<0x7F800000> : vector<576xf32>
      %reduce_min3A_225 = vector.multi_reduction <minimumf>, %sub3A_223, %reduce_min3A_224 [0] : vector<64x576xf32> to vector<576xf32>
      %broadcast_in_dim3A_226 = vector.shape_cast %reduce_min3A_225 : vector<576xf32> to vector<1x576xf32>
      %eq3A_227 = vector.broadcast %broadcast_in_dim3A_226 : vector<1x576xf32> to vector<64x576xf32>
      %eq3A_228 = arith.cmpf oeq, %sub3A_223, %eq3A_227 : vector<64x576xf32>
      %jit3A_229 = arith.constant 3.000000e+38 : f32
      %broadcast_in_dim3A_230 = vector.broadcast %jit3A_229 : f32 to vector<64x576xf32>
      %select_n3A_231 = arith.select %eq3A_228, %convert_element_type3A, %broadcast_in_dim3A_230 : vector<64x576xi1>, vector<64x576xf32>
      %reduce_min3A_232 = arith.constant dense<0x7F800000> : vector<576xf32>
      %reduce_min3A_233 = vector.multi_reduction <minimumf>, %select_n3A_231, %reduce_min3A_232 [0] : vector<64x576xf32> to vector<576xf32>
      %add3A_234 = arith.constant 3.200000e+02 : f32
      %add3A_235 = vector.broadcast %add3A_234 : f32 to vector<576xf32>
      %add3A_236 = arith.addf %reduce_min3A_233, %add3A_235 : vector<576xf32>
      %add3A_237 = arith.constant 384 : i32
      %add3A_238 = arith.addi %multiple_of3A, %add3A_237 : i32
      %multiple_of3A_239 = tpu.assume_multiple %add3A_238, 64 : i32
      %get3A_240 = arith.index_cast %multiple_of3A_239 : i32 to index
      %get3A_241 = arith.constant 0 : index
      %get3A_242 = vector.load %arg5[%get3A_240, %get3A_241] : memref<13824x64xbf16, #tpu.memory_space<vmem>>, vector<64x64xbf16>
      %get3A_243 = arith.index_cast %multiple_of3A_239 : i32 to index
      %get3A_244 = arith.constant 0 : index
      %get3A_245 = vector.load %arg6[%get3A_243, %get3A_244] : memref<13824x1xf32, #tpu.memory_space<vmem>>, vector<64x1xf32>
      %dot_general3A_246 = arith.constant dense<0.000000e+00> : vector<64x576xf32>
      %dot_general3A_247 = tpu.matmul %get3A_242, %get3A_7, %dot_general3A_246 {dimension_numbers = #tpu.dot_dimension_numbers<[1], [0], [0], [1], [0, 0, 1, 1], [], []>, transpose_lhs_hint = false} : vector<64x64xbf16>, vector<64x576xbf16>, vector<64x576xf32> -> vector<64x576xf32>
      %add3A_248 = vector.broadcast %get3A_12 : vector<1x576xf32> to vector<64x576xf32>
      %add3A_249 = vector.broadcast %get3A_245 : vector<64x1xf32> to vector<64x576xf32>
      %add3A_250 = arith.addf %add3A_248, %add3A_249 : vector<64x576xf32>
      %sub3A_251 = arith.subf %add3A_250, %dot_general3A_247 : vector<64x576xf32>
      %reduce_min3A_252 = arith.constant dense<0x7F800000> : vector<576xf32>
      %reduce_min3A_253 = vector.multi_reduction <minimumf>, %sub3A_251, %reduce_min3A_252 [0] : vector<64x576xf32> to vector<576xf32>
      %broadcast_in_dim3A_254 = vector.shape_cast %reduce_min3A_253 : vector<576xf32> to vector<1x576xf32>
      %eq3A_255 = vector.broadcast %broadcast_in_dim3A_254 : vector<1x576xf32> to vector<64x576xf32>
      %eq3A_256 = arith.cmpf oeq, %sub3A_251, %eq3A_255 : vector<64x576xf32>
      %jit3A_257 = arith.constant 3.000000e+38 : f32
      %broadcast_in_dim3A_258 = vector.broadcast %jit3A_257 : f32 to vector<64x576xf32>
      %select_n3A_259 = arith.select %eq3A_256, %convert_element_type3A, %broadcast_in_dim3A_258 : vector<64x576xi1>, vector<64x576xf32>
      %reduce_min3A_260 = arith.constant dense<0x7F800000> : vector<576xf32>
      %reduce_min3A_261 = vector.multi_reduction <minimumf>, %select_n3A_259, %reduce_min3A_260 [0] : vector<64x576xf32> to vector<576xf32>
      %add3A_262 = arith.constant 3.840000e+02 : f32
      %add3A_263 = vector.broadcast %add3A_262 : f32 to vector<576xf32>
      %add3A_264 = arith.addf %reduce_min3A_261, %add3A_263 : vector<576xf32>
      %add3A_265 = arith.constant 448 : i32
      %add3A_266 = arith.addi %multiple_of3A, %add3A_265 : i32
      %multiple_of3A_267 = tpu.assume_multiple %add3A_266, 64 : i32
      %get3A_268 = arith.index_cast %multiple_of3A_267 : i32 to index
      %get3A_269 = arith.constant 0 : index
      %get3A_270 = vector.load %arg5[%get3A_268, %get3A_269] : memref<13824x64xbf16, #tpu.memory_space<vmem>>, vector<64x64xbf16>
      %get3A_271 = arith.index_cast %multiple_of3A_267 : i32 to index
      %get3A_272 = arith.constant 0 : index
      %get3A_273 = vector.load %arg6[%get3A_271, %get3A_272] : memref<13824x1xf32, #tpu.memory_space<vmem>>, vector<64x1xf32>
      %dot_general3A_274 = arith.constant dense<0.000000e+00> : vector<64x576xf32>
      %dot_general3A_275 = tpu.matmul %get3A_270, %get3A_7, %dot_general3A_274 {dimension_numbers = #tpu.dot_dimension_numbers<[1], [0], [0], [1], [0, 0, 1, 1], [], []>, transpose_lhs_hint = false} : vector<64x64xbf16>, vector<64x576xbf16>, vector<64x576xf32> -> vector<64x576xf32>
      %add3A_276 = vector.broadcast %get3A_12 : vector<1x576xf32> to vector<64x576xf32>
      %add3A_277 = vector.broadcast %get3A_273 : vector<64x1xf32> to vector<64x576xf32>
      %add3A_278 = arith.addf %add3A_276, %add3A_277 : vector<64x576xf32>
      %sub3A_279 = arith.subf %add3A_278, %dot_general3A_275 : vector<64x576xf32>
      %reduce_min3A_280 = arith.constant dense<0x7F800000> : vector<576xf32>
      %reduce_min3A_281 = vector.multi_reduction <minimumf>, %sub3A_279, %reduce_min3A_280 [0] : vector<64x576xf32> to vector<576xf32>
      %broadcast_in_dim3A_282 = vector.shape_cast %reduce_min3A_281 : vector<576xf32> to vector<1x576xf32>
      %eq3A_283 = vector.broadcast %broadcast_in_dim3A_282 : vector<1x576xf32> to vector<64x576xf32>
      %eq3A_284 = arith.cmpf oeq, %sub3A_279, %eq3A_283 : vector<64x576xf32>
      %jit3A_285 = arith.constant 3.000000e+38 : f32
      %broadcast_in_dim3A_286 = vector.broadcast %jit3A_285 : f32 to vector<64x576xf32>
      %select_n3A_287 = arith.select %eq3A_284, %convert_element_type3A, %broadcast_in_dim3A_286 : vector<64x576xi1>, vector<64x576xf32>
      %reduce_min3A_288 = arith.constant dense<0x7F800000> : vector<576xf32>
      %reduce_min3A_289 = vector.multi_reduction <minimumf>, %select_n3A_287, %reduce_min3A_288 [0] : vector<64x576xf32> to vector<576xf32>
      %add3A_290 = arith.constant 4.480000e+02 : f32
      %add3A_291 = vector.broadcast %add3A_290 : f32 to vector<576xf32>
      %add3A_292 = arith.addf %reduce_min3A_289, %add3A_291 : vector<576xf32>
      %lt3A = arith.cmpf olt, %reduce_min3A_113, %reduce_min3A_87 : vector<576xf32>
      %select_n3A_293 = arith.select %lt3A, %add3A_124, %add3A_96 : vector<576xi1>, vector<576xf32>
      %select_n3A_294 = arith.select %lt3A, %reduce_min3A_113, %reduce_min3A_87 : vector<576xi1>, vector<576xf32>
      %lt3A_295 = arith.cmpf olt, %reduce_min3A_141, %select_n3A_294 : vector<576xf32>
      %select_n3A_296 = arith.select %lt3A_295, %add3A_152, %select_n3A_293 : vector<576xi1>, vector<576xf32>
      %select_n3A_297 = arith.select %lt3A_295, %reduce_min3A_141, %select_n3A_294 : vector<576xi1>, vector<576xf32>
      %lt3A_298 = arith.cmpf olt, %reduce_min3A_169, %select_n3A_297 : vector<576xf32>
      %select_n3A_299 = arith.select %lt3A_298, %add3A_180, %select_n3A_296 : vector<576xi1>, vector<576xf32>
      %select_n3A_300 = arith.select %lt3A_298, %reduce_min3A_169, %select_n3A_297 : vector<576xi1>, vector<576xf32>
      %lt3A_301 = arith.cmpf olt, %reduce_min3A_197, %select_n3A_300 : vector<576xf32>
      %select_n3A_302 = arith.select %lt3A_301, %add3A_208, %select_n3A_299 : vector<576xi1>, vector<576xf32>
      %select_n3A_303 = arith.select %lt3A_301, %reduce_min3A_197, %select_n3A_300 : vector<576xi1>, vector<576xf32>
      %lt3A_304 = arith.cmpf olt, %reduce_min3A_225, %select_n3A_303 : vector<576xf32>
      %select_n3A_305 = arith.select %lt3A_304, %add3A_236, %select_n3A_302 : vector<576xi1>, vector<576xf32>
      %select_n3A_306 = arith.select %lt3A_304, %reduce_min3A_225, %select_n3A_303 : vector<576xi1>, vector<576xf32>
      %lt3A_307 = arith.cmpf olt, %reduce_min3A_253, %select_n3A_306 : vector<576xf32>
      %select_n3A_308 = arith.select %lt3A_307, %add3A_264, %select_n3A_305 : vector<576xi1>, vector<576xf32>
      %select_n3A_309 = arith.select %lt3A_307, %reduce_min3A_253, %select_n3A_306 : vector<576xi1>, vector<576xf32>
      %lt3A_310 = arith.cmpf olt, %reduce_min3A_281, %select_n3A_309 : vector<576xf32>
      %select_n3A_311 = arith.select %lt3A_310, %add3A_292, %select_n3A_308 : vector<576xi1>, vector<576xf32>
      %select_n3A_312 = arith.select %lt3A_310, %reduce_min3A_281, %select_n3A_309 : vector<576xi1>, vector<576xf32>
      %convert_element_type3A_313 = arith.fptosi %select_n3A_311 : vector<576xf32> to vector<576xi32>
      %get3A_314 = arith.constant 0 : index
      %get3A_315 = vector.load %arg10[%get3A_314] : memref<576xf32, #tpu.memory_space<vmem>>, vector<576xf32>
      %lt3A_316 = arith.cmpf olt, %select_n3A_312, %get3A_315 : vector<576xf32>
      %select_n3A_317 = arith.select %lt3A_316, %select_n3A_312, %get3A_315 : vector<576xi1>, vector<576xf32>
      %eq3A_318 = arith.constant 16 : i32
      %eq3A_319 = arith.cmpi eq, %get3A_2, %eq3A_318 : i32
      %eq3A_320 = arith.constant 7 : i32
      %eq3A_321 = arith.cmpi eq, %while3A_70, %eq3A_320 : i32
      %and3A = arith.andi %eq3A_319, %eq3A_321 : i1
      %convert_element_type3A_322 = arith.truncf %select_n3A_317 : vector<576xf32> to vector<576xbf16>
      %convert_element_type3A_323 = arith.extf %convert_element_type3A_322 : vector<576xbf16> to vector<576xf32>
      %select_n3A_324 = arith.select %and3A, %convert_element_type3A_323, %select_n3A_317 : vector<576xf32>
      %swap3A_325 = arith.constant 0 : index
      %swap3A_326 = vector.load %arg10[%swap3A_325] : memref<576xf32, #tpu.memory_space<vmem>>, vector<576xf32>
      tpu.vector_store %arg10[%swap3A_325], %select_n3A_324 {strides = array<i32>} : memref<576xf32, #tpu.memory_space<vmem>>, vector<576xf32>,
      %mul3A_327 = arith.constant 512 : i32
      %mul3A_328 = arith.muli %while3A_70, %mul3A_327 : i32
      %add3A_329 = vector.broadcast %mul3A_328 : i32 to vector<576xi32>
      %add3A_330 = arith.addi %convert_element_type3A_313, %add3A_329 : vector<576xi32>
      %get3A_331 = arith.constant 0 : index
      %get3A_332 = vector.load %arg11[%get3A_331] : memref<576xi32, #tpu.memory_space<vmem>>, vector<576xi32>
      %select_n3A_333 = arith.select %lt3A_316, %add3A_330, %get3A_332 : vector<576xi1>, vector<576xi32>
      %swap3A_334 = arith.constant 0 : index
      %swap3A_335 = vector.load %arg11[%swap3A_334] : memref<576xi32, #tpu.memory_space<vmem>>, vector<576xi32>
      tpu.vector_store %arg11[%swap3A_334], %select_n3A_333 {strides = array<i32>} : memref<576xi32, #tpu.memory_space<vmem>>, vector<576xi32>,
      %get3A_336 = arith.constant 0 : index
      %get3A_337 = vector.load %arg12[%get3A_336] : memref<576xf32, #tpu.memory_space<vmem>>, vector<576xf32>
      %select_n3A_338 = arith.select %lt3A_316, %select_n3A_312, %get3A_337 : vector<576xi1>, vector<576xf32>
      %swap3A_339 = arith.constant 0 : index
      %swap3A_340 = vector.load %arg12[%swap3A_339] : memref<576xf32, #tpu.memory_space<vmem>>, vector<576xf32>
      tpu.vector_store %arg12[%swap3A_339], %select_n3A_338 {strides = array<i32>} : memref<576xf32, #tpu.memory_space<vmem>>, vector<576xf32>,
      %while3A_341 = arith.constant 0 : i32
      scf.yield %while3A_341 : i32
    }
    %while3A_32 = arith.constant 1 : i32
    %while3A_33 = scf.for %while3A_70 = %while3A_29 to %while3A_25 step %while3A_32 iter_args(%while3A_71 = %while3A_31) -> (i32)  : i32 {
      %mul3A = arith.constant 512 : i32
      %mul3A_72 = arith.muli %while3A_70, %mul3A : i32
      %add3A_73 = arith.addi %get3A_0, %mul3A_72 : i32
      %multiple_of3A = tpu.assume_multiple %add3A_73, 512 : i32
      %add3A_74 = arith.constant 0 : i32
      %add3A_75 = arith.addi %multiple_of3A, %add3A_74 : i32
      %multiple_of3A_76 = tpu.assume_multiple %add3A_75, 64 : i32
      %get3A_77 = arith.index_cast %multiple_of3A_76 : i32 to index
      %get3A_78 = arith.constant 0 : index
      %get3A_79 = vector.load %arg5[%get3A_77, %get3A_78] : memref<13824x64xbf16, #tpu.memory_space<vmem>>, vector<64x64xbf16>
      %get3A_80 = arith.index_cast %multiple_of3A_76 : i32 to index
      %get3A_81 = arith.constant 0 : index
      %get3A_82 = vector.load %arg6[%get3A_80, %get3A_81] : memref<13824x1xf32, #tpu.memory_space<vmem>>, vector<64x1xf32>
      %dot_general3A = arith.constant dense<0.000000e+00> : vector<64x576xf32>
      %dot_general3A_83 = tpu.matmul %get3A_79, %get3A_7, %dot_general3A {dimension_numbers = #tpu.dot_dimension_numbers<[1], [0], [0], [1], [0, 0, 1, 1], [], []>, transpose_lhs_hint = false} : vector<64x64xbf16>, vector<64x576xbf16>, vector<64x576xf32> -> vector<64x576xf32>
      %add3A_84 = vector.broadcast %get3A_12 : vector<1x576xf32> to vector<64x576xf32>
      %add3A_85 = vector.broadcast %get3A_82 : vector<64x1xf32> to vector<64x576xf32>
      %add3A_86 = arith.addf %add3A_84, %add3A_85 : vector<64x576xf32>
      %sub3A = arith.subf %add3A_86, %dot_general3A_83 : vector<64x576xf32>
      %reduce_min3A = arith.constant dense<0x7F800000> : vector<576xf32>
      %reduce_min3A_87 = vector.multi_reduction <minimumf>, %sub3A, %reduce_min3A [0] : vector<64x576xf32> to vector<576xf32>
      %broadcast_in_dim3A_88 = vector.shape_cast %reduce_min3A_87 : vector<576xf32> to vector<1x576xf32>
      %eq3A_89 = vector.broadcast %broadcast_in_dim3A_88 : vector<1x576xf32> to vector<64x576xf32>
      %eq3A_90 = arith.cmpf oeq, %sub3A, %eq3A_89 : vector<64x576xf32>
      %jit3A = arith.constant 3.000000e+38 : f32
      %broadcast_in_dim3A_91 = vector.broadcast %jit3A : f32 to vector<64x576xf32>
      %select_n3A = arith.select %eq3A_90, %convert_element_type3A, %broadcast_in_dim3A_91 : vector<64x576xi1>, vector<64x576xf32>
      %reduce_min3A_92 = arith.constant dense<0x7F800000> : vector<576xf32>
      %reduce_min3A_93 = vector.multi_reduction <minimumf>, %select_n3A, %reduce_min3A_92 [0] : vector<64x576xf32> to vector<576xf32>
      %add3A_94 = arith.constant 0.000000e+00 : f32
      %add3A_95 = vector.broadcast %add3A_94 : f32 to vector<576xf32>
      %add3A_96 = arith.addf %reduce_min3A_93, %add3A_95 : vector<576xf32>
      %add3A_97 = arith.constant 64 : i32
      %add3A_98 = arith.addi %multiple_of3A, %add3A_97 : i32
      %multiple_of3A_99 = tpu.assume_multiple %add3A_98, 64 : i32
      %get3A_100 = arith.index_cast %multiple_of3A_99 : i32 to index
      %get3A_101 = arith.constant 0 : index
      %get3A_102 = vector.load %arg5[%get3A_100, %get3A_101] : memref<13824x64xbf16, #tpu.memory_space<vmem>>, vector<64x64xbf16>
      %get3A_103 = arith.index_cast %multiple_of3A_99 : i32 to index
      %get3A_104 = arith.constant 0 : index
      %get3A_105 = vector.load %arg6[%get3A_103, %get3A_104] : memref<13824x1xf32, #tpu.memory_space<vmem>>, vector<64x1xf32>
      %dot_general3A_106 = arith.constant dense<0.000000e+00> : vector<64x576xf32>
      %dot_general3A_107 = tpu.matmul %get3A_102, %get3A_7, %dot_general3A_106 {dimension_numbers = #tpu.dot_dimension_numbers<[1], [0], [0], [1], [0, 0, 1, 1], [], []>, transpose_lhs_hint = false} : vector<64x64xbf16>, vector<64x576xbf16>, vector<64x576xf32> -> vector<64x576xf32>
      %add3A_108 = vector.broadcast %get3A_12 : vector<1x576xf32> to vector<64x576xf32>
      %add3A_109 = vector.broadcast %get3A_105 : vector<64x1xf32> to vector<64x576xf32>
      %add3A_110 = arith.addf %add3A_108, %add3A_109 : vector<64x576xf32>
      %sub3A_111 = arith.subf %add3A_110, %dot_general3A_107 : vector<64x576xf32>
      %reduce_min3A_112 = arith.constant dense<0x7F800000> : vector<576xf32>
      %reduce_min3A_113 = vector.multi_reduction <minimumf>, %sub3A_111, %reduce_min3A_112 [0] : vector<64x576xf32> to vector<576xf32>
      %broadcast_in_dim3A_114 = vector.shape_cast %reduce_min3A_113 : vector<576xf32> to vector<1x576xf32>
      %eq3A_115 = vector.broadcast %broadcast_in_dim3A_114 : vector<1x576xf32> to vector<64x576xf32>
      %eq3A_116 = arith.cmpf oeq, %sub3A_111, %eq3A_115 : vector<64x576xf32>
      %jit3A_117 = arith.constant 3.000000e+38 : f32
      %broadcast_in_dim3A_118 = vector.broadcast %jit3A_117 : f32 to vector<64x576xf32>
      %select_n3A_119 = arith.select %eq3A_116, %convert_element_type3A, %broadcast_in_dim3A_118 : vector<64x576xi1>, vector<64x576xf32>
      %reduce_min3A_120 = arith.constant dense<0x7F800000> : vector<576xf32>
      %reduce_min3A_121 = vector.multi_reduction <minimumf>, %select_n3A_119, %reduce_min3A_120 [0] : vector<64x576xf32> to vector<576xf32>
      %add3A_122 = arith.constant 6.400000e+01 : f32
      %add3A_123 = vector.broadcast %add3A_122 : f32 to vector<576xf32>
      %add3A_124 = arith.addf %reduce_min3A_121, %add3A_123 : vector<576xf32>
      %add3A_125 = arith.constant 128 : i32
      %add3A_126 = arith.addi %multiple_of3A, %add3A_125 : i32
      %multiple_of3A_127 = tpu.assume_multiple %add3A_126, 64 : i32
      %get3A_128 = arith.index_cast %multiple_of3A_127 : i32 to index
      %get3A_129 = arith.constant 0 : index
      %get3A_130 = vector.load %arg5[%get3A_128, %get3A_129] : memref<13824x64xbf16, #tpu.memory_space<vmem>>, vector<64x64xbf16>
      %get3A_131 = arith.index_cast %multiple_of3A_127 : i32 to index
      %get3A_132 = arith.constant 0 : index
      %get3A_133 = vector.load %arg6[%get3A_131, %get3A_132] : memref<13824x1xf32, #tpu.memory_space<vmem>>, vector<64x1xf32>
      %dot_general3A_134 = arith.constant dense<0.000000e+00> : vector<64x576xf32>
      %dot_general3A_135 = tpu.matmul %get3A_130, %get3A_7, %dot_general3A_134 {dimension_numbers = #tpu.dot_dimension_numbers<[1], [0], [0], [1], [0, 0, 1, 1], [], []>, transpose_lhs_hint = false} : vector<64x64xbf16>, vector<64x576xbf16>, vector<64x576xf32> -> vector<64x576xf32>
      %add3A_136 = vector.broadcast %get3A_12 : vector<1x576xf32> to vector<64x576xf32>
      %add3A_137 = vector.broadcast %get3A_133 : vector<64x1xf32> to vector<64x576xf32>
      %add3A_138 = arith.addf %add3A_136, %add3A_137 : vector<64x576xf32>
      %sub3A_139 = arith.subf %add3A_138, %dot_general3A_135 : vector<64x576xf32>
      %reduce_min3A_140 = arith.constant dense<0x7F800000> : vector<576xf32>
      %reduce_min3A_141 = vector.multi_reduction <minimumf>, %sub3A_139, %reduce_min3A_140 [0] : vector<64x576xf32> to vector<576xf32>
      %broadcast_in_dim3A_142 = vector.shape_cast %reduce_min3A_141 : vector<576xf32> to vector<1x576xf32>
      %eq3A_143 = vector.broadcast %broadcast_in_dim3A_142 : vector<1x576xf32> to vector<64x576xf32>
      %eq3A_144 = arith.cmpf oeq, %sub3A_139, %eq3A_143 : vector<64x576xf32>
      %jit3A_145 = arith.constant 3.000000e+38 : f32
      %broadcast_in_dim3A_146 = vector.broadcast %jit3A_145 : f32 to vector<64x576xf32>
      %select_n3A_147 = arith.select %eq3A_144, %convert_element_type3A, %broadcast_in_dim3A_146 : vector<64x576xi1>, vector<64x576xf32>
      %reduce_min3A_148 = arith.constant dense<0x7F800000> : vector<576xf32>
      %reduce_min3A_149 = vector.multi_reduction <minimumf>, %select_n3A_147, %reduce_min3A_148 [0] : vector<64x576xf32> to vector<576xf32>
      %add3A_150 = arith.constant 1.280000e+02 : f32
      %add3A_151 = vector.broadcast %add3A_150 : f32 to vector<576xf32>
      %add3A_152 = arith.addf %reduce_min3A_149, %add3A_151 : vector<576xf32>
      %add3A_153 = arith.constant 192 : i32
      %add3A_154 = arith.addi %multiple_of3A, %add3A_153 : i32
      %multiple_of3A_155 = tpu.assume_multiple %add3A_154, 64 : i32
      %get3A_156 = arith.index_cast %multiple_of3A_155 : i32 to index
      %get3A_157 = arith.constant 0 : index
      %get3A_158 = vector.load %arg5[%get3A_156, %get3A_157] : memref<13824x64xbf16, #tpu.memory_space<vmem>>, vector<64x64xbf16>
      %get3A_159 = arith.index_cast %multiple_of3A_155 : i32 to index
      %get3A_160 = arith.constant 0 : index
      %get3A_161 = vector.load %arg6[%get3A_159, %get3A_160] : memref<13824x1xf32, #tpu.memory_space<vmem>>, vector<64x1xf32>
      %dot_general3A_162 = arith.constant dense<0.000000e+00> : vector<64x576xf32>
      %dot_general3A_163 = tpu.matmul %get3A_158, %get3A_7, %dot_general3A_162 {dimension_numbers = #tpu.dot_dimension_numbers<[1], [0], [0], [1], [0, 0, 1, 1], [], []>, transpose_lhs_hint = false} : vector<64x64xbf16>, vector<64x576xbf16>, vector<64x576xf32> -> vector<64x576xf32>
      %add3A_164 = vector.broadcast %get3A_12 : vector<1x576xf32> to vector<64x576xf32>
      %add3A_165 = vector.broadcast %get3A_161 : vector<64x1xf32> to vector<64x576xf32>
      %add3A_166 = arith.addf %add3A_164, %add3A_165 : vector<64x576xf32>
      %sub3A_167 = arith.subf %add3A_166, %dot_general3A_163 : vector<64x576xf32>
      %reduce_min3A_168 = arith.constant dense<0x7F800000> : vector<576xf32>
      %reduce_min3A_169 = vector.multi_reduction <minimumf>, %sub3A_167, %reduce_min3A_168 [0] : vector<64x576xf32> to vector<576xf32>
      %broadcast_in_dim3A_170 = vector.shape_cast %reduce_min3A_169 : vector<576xf32> to vector<1x576xf32>
      %eq3A_171 = vector.broadcast %broadcast_in_dim3A_170 : vector<1x576xf32> to vector<64x576xf32>
      %eq3A_172 = arith.cmpf oeq, %sub3A_167, %eq3A_171 : vector<64x576xf32>
      %jit3A_173 = arith.constant 3.000000e+38 : f32
      %broadcast_in_dim3A_174 = vector.broadcast %jit3A_173 : f32 to vector<64x576xf32>
      %select_n3A_175 = arith.select %eq3A_172, %convert_element_type3A, %broadcast_in_dim3A_174 : vector<64x576xi1>, vector<64x576xf32>
      %reduce_min3A_176 = arith.constant dense<0x7F800000> : vector<576xf32>
      %reduce_min3A_177 = vector.multi_reduction <minimumf>, %select_n3A_175, %reduce_min3A_176 [0] : vector<64x576xf32> to vector<576xf32>
      %add3A_178 = arith.constant 1.920000e+02 : f32
      %add3A_179 = vector.broadcast %add3A_178 : f32 to vector<576xf32>
      %add3A_180 = arith.addf %reduce_min3A_177, %add3A_179 : vector<576xf32>
      %add3A_181 = arith.constant 256 : i32
      %add3A_182 = arith.addi %multiple_of3A, %add3A_181 : i32
      %multiple_of3A_183 = tpu.assume_multiple %add3A_182, 64 : i32
      %get3A_184 = arith.index_cast %multiple_of3A_183 : i32 to index
      %get3A_185 = arith.constant 0 : index
      %get3A_186 = vector.load %arg5[%get3A_184, %get3A_185] : memref<13824x64xbf16, #tpu.memory_space<vmem>>, vector<64x64xbf16>
      %get3A_187 = arith.index_cast %multiple_of3A_183 : i32 to index
      %get3A_188 = arith.constant 0 : index
      %get3A_189 = vector.load %arg6[%get3A_187, %get3A_188] : memref<13824x1xf32, #tpu.memory_space<vmem>>, vector<64x1xf32>
      %dot_general3A_190 = arith.constant dense<0.000000e+00> : vector<64x576xf32>
      %dot_general3A_191 = tpu.matmul %get3A_186, %get3A_7, %dot_general3A_190 {dimension_numbers = #tpu.dot_dimension_numbers<[1], [0], [0], [1], [0, 0, 1, 1], [], []>, transpose_lhs_hint = false} : vector<64x64xbf16>, vector<64x576xbf16>, vector<64x576xf32> -> vector<64x576xf32>
      %add3A_192 = vector.broadcast %get3A_12 : vector<1x576xf32> to vector<64x576xf32>
      %add3A_193 = vector.broadcast %get3A_189 : vector<64x1xf32> to vector<64x576xf32>
      %add3A_194 = arith.addf %add3A_192, %add3A_193 : vector<64x576xf32>
      %sub3A_195 = arith.subf %add3A_194, %dot_general3A_191 : vector<64x576xf32>
      %reduce_min3A_196 = arith.constant dense<0x7F800000> : vector<576xf32>
      %reduce_min3A_197 = vector.multi_reduction <minimumf>, %sub3A_195, %reduce_min3A_196 [0] : vector<64x576xf32> to vector<576xf32>
      %broadcast_in_dim3A_198 = vector.shape_cast %reduce_min3A_197 : vector<576xf32> to vector<1x576xf32>
      %eq3A_199 = vector.broadcast %broadcast_in_dim3A_198 : vector<1x576xf32> to vector<64x576xf32>
      %eq3A_200 = arith.cmpf oeq, %sub3A_195, %eq3A_199 : vector<64x576xf32>
      %jit3A_201 = arith.constant 3.000000e+38 : f32
      %broadcast_in_dim3A_202 = vector.broadcast %jit3A_201 : f32 to vector<64x576xf32>
      %select_n3A_203 = arith.select %eq3A_200, %convert_element_type3A, %broadcast_in_dim3A_202 : vector<64x576xi1>, vector<64x576xf32>
      %reduce_min3A_204 = arith.constant dense<0x7F800000> : vector<576xf32>
      %reduce_min3A_205 = vector.multi_reduction <minimumf>, %select_n3A_203, %reduce_min3A_204 [0] : vector<64x576xf32> to vector<576xf32>
      %add3A_206 = arith.constant 2.560000e+02 : f32
      %add3A_207 = vector.broadcast %add3A_206 : f32 to vector<576xf32>
      %add3A_208 = arith.addf %reduce_min3A_205, %add3A_207 : vector<576xf32>
      %add3A_209 = arith.constant 320 : i32
      %add3A_210 = arith.addi %multiple_of3A, %add3A_209 : i32
      %multiple_of3A_211 = tpu.assume_multiple %add3A_210, 64 : i32
      %get3A_212 = arith.index_cast %multiple_of3A_211 : i32 to index
      %get3A_213 = arith.constant 0 : index
      %get3A_214 = vector.load %arg5[%get3A_212, %get3A_213] : memref<13824x64xbf16, #tpu.memory_space<vmem>>, vector<64x64xbf16>
      %get3A_215 = arith.index_cast %multiple_of3A_211 : i32 to index
      %get3A_216 = arith.constant 0 : index
      %get3A_217 = vector.load %arg6[%get3A_215, %get3A_216] : memref<13824x1xf32, #tpu.memory_space<vmem>>, vector<64x1xf32>
      %dot_general3A_218 = arith.constant dense<0.000000e+00> : vector<64x576xf32>
      %dot_general3A_219 = tpu.matmul %get3A_214, %get3A_7, %dot_general3A_218 {dimension_numbers = #tpu.dot_dimension_numbers<[1], [0], [0], [1], [0, 0, 1, 1], [], []>, transpose_lhs_hint = false} : vector<64x64xbf16>, vector<64x576xbf16>, vector<64x576xf32> -> vector<64x576xf32>
      %add3A_220 = vector.broadcast %get3A_12 : vector<1x576xf32> to vector<64x576xf32>
      %add3A_221 = vector.broadcast %get3A_217 : vector<64x1xf32> to vector<64x576xf32>
      %add3A_222 = arith.addf %add3A_220, %add3A_221 : vector<64x576xf32>
      %sub3A_223 = arith.subf %add3A_222, %dot_general3A_219 : vector<64x576xf32>
      %reduce_min3A_224 = arith.constant dense<0x7F800000> : vector<576xf32>
      %reduce_min3A_225 = vector.multi_reduction <minimumf>, %sub3A_223, %reduce_min3A_224 [0] : vector<64x576xf32> to vector<576xf32>
      %broadcast_in_dim3A_226 = vector.shape_cast %reduce_min3A_225 : vector<576xf32> to vector<1x576xf32>
      %eq3A_227 = vector.broadcast %broadcast_in_dim3A_226 : vector<1x576xf32> to vector<64x576xf32>
      %eq3A_228 = arith.cmpf oeq, %sub3A_223, %eq3A_227 : vector<64x576xf32>
      %jit3A_229 = arith.constant 3.000000e+38 : f32
      %broadcast_in_dim3A_230 = vector.broadcast %jit3A_229 : f32 to vector<64x576xf32>
      %select_n3A_231 = arith.select %eq3A_228, %convert_element_type3A, %broadcast_in_dim3A_230 : vector<64x576xi1>, vector<64x576xf32>
      %reduce_min3A_232 = arith.constant dense<0x7F800000> : vector<576xf32>
      %reduce_min3A_233 = vector.multi_reduction <minimumf>, %select_n3A_231, %reduce_min3A_232 [0] : vector<64x576xf32> to vector<576xf32>
      %add3A_234 = arith.constant 3.200000e+02 : f32
      %add3A_235 = vector.broadcast %add3A_234 : f32 to vector<576xf32>
      %add3A_236 = arith.addf %reduce_min3A_233, %add3A_235 : vector<576xf32>
      %add3A_237 = arith.constant 384 : i32
      %add3A_238 = arith.addi %multiple_of3A, %add3A_237 : i32
      %multiple_of3A_239 = tpu.assume_multiple %add3A_238, 64 : i32
      %get3A_240 = arith.index_cast %multiple_of3A_239 : i32 to index
      %get3A_241 = arith.constant 0 : index
      %get3A_242 = vector.load %arg5[%get3A_240, %get3A_241] : memref<13824x64xbf16, #tpu.memory_space<vmem>>, vector<64x64xbf16>
      %get3A_243 = arith.index_cast %multiple_of3A_239 : i32 to index
      %get3A_244 = arith.constant 0 : index
      %get3A_245 = vector.load %arg6[%get3A_243, %get3A_244] : memref<13824x1xf32, #tpu.memory_space<vmem>>, vector<64x1xf32>
      %dot_general3A_246 = arith.constant dense<0.000000e+00> : vector<64x576xf32>
      %dot_general3A_247 = tpu.matmul %get3A_242, %get3A_7, %dot_general3A_246 {dimension_numbers = #tpu.dot_dimension_numbers<[1], [0], [0], [1], [0, 0, 1, 1], [], []>, transpose_lhs_hint = false} : vector<64x64xbf16>, vector<64x576xbf16>, vector<64x576xf32> -> vector<64x576xf32>
      %add3A_248 = vector.broadcast %get3A_12 : vector<1x576xf32> to vector<64x576xf32>
      %add3A_249 = vector.broadcast %get3A_245 : vector<64x1xf32> to vector<64x576xf32>
      %add3A_250 = arith.addf %add3A_248, %add3A_249 : vector<64x576xf32>
      %sub3A_251 = arith.subf %add3A_250, %dot_general3A_247 : vector<64x576xf32>
      %reduce_min3A_252 = arith.constant dense<0x7F800000> : vector<576xf32>
      %reduce_min3A_253 = vector.multi_reduction <minimumf>, %sub3A_251, %reduce_min3A_252 [0] : vector<64x576xf32> to vector<576xf32>
      %broadcast_in_dim3A_254 = vector.shape_cast %reduce_min3A_253 : vector<576xf32> to vector<1x576xf32>
      %eq3A_255 = vector.broadcast %broadcast_in_dim3A_254 : vector<1x576xf32> to vector<64x576xf32>
      %eq3A_256 = arith.cmpf oeq, %sub3A_251, %eq3A_255 : vector<64x576xf32>
      %jit3A_257 = arith.constant 3.000000e+38 : f32
      %broadcast_in_dim3A_258 = vector.broadcast %jit3A_257 : f32 to vector<64x576xf32>
      %select_n3A_259 = arith.select %eq3A_256, %convert_element_type3A, %broadcast_in_dim3A_258 : vector<64x576xi1>, vector<64x576xf32>
      %reduce_min3A_260 = arith.constant dense<0x7F800000> : vector<576xf32>
      %reduce_min3A_261 = vector.multi_reduction <minimumf>, %select_n3A_259, %reduce_min3A_260 [0] : vector<64x576xf32> to vector<576xf32>
      %add3A_262 = arith.constant 3.840000e+02 : f32
      %add3A_263 = vector.broadcast %add3A_262 : f32 to vector<576xf32>
      %add3A_264 = arith.addf %reduce_min3A_261, %add3A_263 : vector<576xf32>
      %add3A_265 = arith.constant 448 : i32
      %add3A_266 = arith.addi %multiple_of3A, %add3A_265 : i32
      %multiple_of3A_267 = tpu.assume_multiple %add3A_266, 64 : i32
      %get3A_268 = arith.index_cast %multiple_of3A_267 : i32 to index
      %get3A_269 = arith.constant 0 : index
      %get3A_270 = vector.load %arg5[%get3A_268, %get3A_269] : memref<13824x64xbf16, #tpu.memory_space<vmem>>, vector<64x64xbf16>
      %get3A_271 = arith.index_cast %multiple_of3A_267 : i32 to index
      %get3A_272 = arith.constant 0 : index
      %get3A_273 = vector.load %arg6[%get3A_271, %get3A_272] : memref<13824x1xf32, #tpu.memory_space<vmem>>, vector<64x1xf32>
      %dot_general3A_274 = arith.constant dense<0.000000e+00> : vector<64x576xf32>
      %dot_general3A_275 = tpu.matmul %get3A_270, %get3A_7, %dot_general3A_274 {dimension_numbers = #tpu.dot_dimension_numbers<[1], [0], [0], [1], [0, 0, 1, 1], [], []>, transpose_lhs_hint = false} : vector<64x64xbf16>, vector<64x576xbf16>, vector<64x576xf32> -> vector<64x576xf32>
      %add3A_276 = vector.broadcast %get3A_12 : vector<1x576xf32> to vector<64x576xf32>
      %add3A_277 = vector.broadcast %get3A_273 : vector<64x1xf32> to vector<64x576xf32>
      %add3A_278 = arith.addf %add3A_276, %add3A_277 : vector<64x576xf32>
      %sub3A_279 = arith.subf %add3A_278, %dot_general3A_275 : vector<64x576xf32>
      %reduce_min3A_280 = arith.constant dense<0x7F800000> : vector<576xf32>
      %reduce_min3A_281 = vector.multi_reduction <minimumf>, %sub3A_279, %reduce_min3A_280 [0] : vector<64x576xf32> to vector<576xf32>
      %broadcast_in_dim3A_282 = vector.shape_cast %reduce_min3A_281 : vector<576xf32> to vector<1x576xf32>
      %eq3A_283 = vector.broadcast %broadcast_in_dim3A_282 : vector<1x576xf32> to vector<64x576xf32>
      %eq3A_284 = arith.cmpf oeq, %sub3A_279, %eq3A_283 : vector<64x576xf32>
      %jit3A_285 = arith.constant 3.000000e+38 : f32
      %broadcast_in_dim3A_286 = vector.broadcast %jit3A_285 : f32 to vector<64x576xf32>
      %select_n3A_287 = arith.select %eq3A_284, %convert_element_type3A, %broadcast_in_dim3A_286 : vector<64x576xi1>, vector<64x576xf32>
      %reduce_min3A_288 = arith.constant dense<0x7F800000> : vector<576xf32>
      %reduce_min3A_289 = vector.multi_reduction <minimumf>, %select_n3A_287, %reduce_min3A_288 [0] : vector<64x576xf32> to vector<576xf32>
      %add3A_290 = arith.constant 4.480000e+02 : f32
      %add3A_291 = vector.broadcast %add3A_290 : f32 to vector<576xf32>
      %add3A_292 = arith.addf %reduce_min3A_289, %add3A_291 : vector<576xf32>
      %lt3A = arith.cmpf olt, %reduce_min3A_113, %reduce_min3A_87 : vector<576xf32>
      %select_n3A_293 = arith.select %lt3A, %add3A_124, %add3A_96 : vector<576xi1>, vector<576xf32>
      %select_n3A_294 = arith.select %lt3A, %reduce_min3A_113, %reduce_min3A_87 : vector<576xi1>, vector<576xf32>
      %lt3A_295 = arith.cmpf olt, %reduce_min3A_141, %select_n3A_294 : vector<576xf32>
      %select_n3A_296 = arith.select %lt3A_295, %add3A_152, %select_n3A_293 : vector<576xi1>, vector<576xf32>
      %select_n3A_297 = arith.select %lt3A_295, %reduce_min3A_141, %select_n3A_294 : vector<576xi1>, vector<576xf32>
      %lt3A_298 = arith.cmpf olt, %reduce_min3A_169, %select_n3A_297 : vector<576xf32>
      %select_n3A_299 = arith.select %lt3A_298, %add3A_180, %select_n3A_296 : vector<576xi1>, vector<576xf32>
      %select_n3A_300 = arith.select %lt3A_298, %reduce_min3A_169, %select_n3A_297 : vector<576xi1>, vector<576xf32>
      %lt3A_301 = arith.cmpf olt, %reduce_min3A_197, %select_n3A_300 : vector<576xf32>
      %select_n3A_302 = arith.select %lt3A_301, %add3A_208, %select_n3A_299 : vector<576xi1>, vector<576xf32>
      %select_n3A_303 = arith.select %lt3A_301, %reduce_min3A_197, %select_n3A_300 : vector<576xi1>, vector<576xf32>
      %lt3A_304 = arith.cmpf olt, %reduce_min3A_225, %select_n3A_303 : vector<576xf32>
      %select_n3A_305 = arith.select %lt3A_304, %add3A_236, %select_n3A_302 : vector<576xi1>, vector<576xf32>
      %select_n3A_306 = arith.select %lt3A_304, %reduce_min3A_225, %select_n3A_303 : vector<576xi1>, vector<576xf32>
      %lt3A_307 = arith.cmpf olt, %reduce_min3A_253, %select_n3A_306 : vector<576xf32>
      %select_n3A_308 = arith.select %lt3A_307, %add3A_264, %select_n3A_305 : vector<576xi1>, vector<576xf32>
      %select_n3A_309 = arith.select %lt3A_307, %reduce_min3A_253, %select_n3A_306 : vector<576xi1>, vector<576xf32>
      %lt3A_310 = arith.cmpf olt, %reduce_min3A_281, %select_n3A_309 : vector<576xf32>
      %select_n3A_311 = arith.select %lt3A_310, %add3A_292, %select_n3A_308 : vector<576xi1>, vector<576xf32>
      %select_n3A_312 = arith.select %lt3A_310, %reduce_min3A_281, %select_n3A_309 : vector<576xi1>, vector<576xf32>
      %convert_element_type3A_313 = arith.fptosi %select_n3A_311 : vector<576xf32> to vector<576xi32>
      %get3A_314 = arith.constant 0 : index
      %get3A_315 = vector.load %arg10[%get3A_314] : memref<576xf32, #tpu.memory_space<vmem>>, vector<576xf32>
      %lt3A_316 = arith.cmpf olt, %select_n3A_312, %get3A_315 : vector<576xf32>
      %select_n3A_317 = arith.select %lt3A_316, %select_n3A_312, %get3A_315 : vector<576xi1>, vector<576xf32>
      %eq3A_318 = arith.constant 16 : i32
      %eq3A_319 = arith.cmpi eq, %get3A_2, %eq3A_318 : i32
      %eq3A_320 = arith.constant 7 : i32
      %eq3A_321 = arith.cmpi eq, %while3A_70, %eq3A_320 : i32
      %and3A = arith.andi %eq3A_319, %eq3A_321 : i1
      %convert_element_type3A_322 = arith.truncf %select_n3A_317 : vector<576xf32> to vector<576xbf16>
      %convert_element_type3A_323 = arith.extf %convert_element_type3A_322 : vector<576xbf16> to vector<576xf32>
      %select_n3A_324 = arith.select %and3A, %convert_element_type3A_323, %select_n3A_317 : vector<576xf32>
      %swap3A_325 = arith.constant 0 : index
      %swap3A_326 = vector.load %arg10[%swap3A_325] : memref<576xf32, #tpu.memory_space<vmem>>, vector<576xf32>
      tpu.vector_store %arg10[%swap3A_325], %select_n3A_324 {strides = array<i32>} : memref<576xf32, #tpu.memory_space<vmem>>, vector<576xf32>,
      %mul3A_327 = arith.constant 512 : i32
      %mul3A_328 = arith.muli %while3A_70, %mul3A_327 : i32
      %add3A_329 = vector.broadcast %mul3A_328 : i32 to vector<576xi32>
      %add3A_330 = arith.addi %convert_element_type3A_313, %add3A_329 : vector<576xi32>
      %get3A_331 = arith.constant 0 : index
      %get3A_332 = vector.load %arg11[%get3A_331] : memref<576xi32, #tpu.memory_space<vmem>>, vector<576xi32>
      %select_n3A_333 = arith.select %lt3A_316, %add3A_330, %get3A_332 : vector<576xi1>, vector<576xi32>
      %swap3A_334 = arith.constant 0 : index
      %swap3A_335 = vector.load %arg11[%swap3A_334] : memref<576xi32, #tpu.memory_space<vmem>>, vector<576xi32>
      tpu.vector_store %arg11[%swap3A_334], %select_n3A_333 {strides = array<i32>} : memref<576xi32, #tpu.memory_space<vmem>>, vector<576xi32>,
      %get3A_336 = arith.constant 0 : index
      %get3A_337 = vector.load %arg12[%get3A_336] : memref<576xf32, #tpu.memory_space<vmem>>, vector<576xf32>
      %select_n3A_338 = arith.select %lt3A_316, %select_n3A_312, %get3A_337 : vector<576xi1>, vector<576xf32>
      %swap3A_339 = arith.constant 0 : index
      %swap3A_340 = vector.load %arg12[%swap3A_339] : memref<576xf32, #tpu.memory_space<vmem>>, vector<576xf32>
      tpu.vector_store %arg12[%swap3A_339], %select_n3A_338 {strides = array<i32>} : memref<576xf32, #tpu.memory_space<vmem>>, vector<576xf32>,
      %while3A_341 = arith.constant 0 : i32
      scf.yield %while3A_341 : i32
    }
    %get3A_34 = arith.constant 0 : index
    %get3A_35 = vector.load %arg11[%get3A_34] : memref<576xi32, #tpu.memory_space<vmem>>, vector<576xi32>
    %swap3A_36 = arith.constant 0 : index
    %swap3A_37 = arith.constant 0 : index
    %swap3A_38 = arith.constant 0 : index
    %swap3A_39 = vector.load %arg7[%swap3A_36, %swap3A_37, %swap3A_38] : memref<1x1x576xi32, #tpu.memory_space<vmem>>, vector<1x1x576xi32>
    %swap3A_40 = vector.shape_cast %swap3A_39 : vector<1x1x576xi32> to vector<576xi32>
    %swap3A_41 = vector.shape_cast %get3A_35 : vector<576xi32> to vector<1x1x576xi32>
    tpu.vector_store %arg7[%swap3A_36, %swap3A_37, %swap3A_38], %swap3A_41 {strides = array<i32>} : memref<1x1x576xi32, #tpu.memory_space<vmem>>, vector<1x1x576xi32>,
    %get3A_42 = arith.constant 0 : index
    %get3A_43 = vector.load %arg11[%get3A_42] : memref<576xi32, #tpu.memory_space<vmem>>, vector<576xi32>
    %add3A = vector.broadcast %get3A_0 : i32 to vector<576xi32>
    %add3A_44 = arith.addi %get3A_43, %add3A : vector<576xi32>
    %swap3A_45 = arith.constant 0 : index
    %swap3A_46 = arith.constant 0 : index
    %swap3A_47 = arith.constant 0 : index
    %swap3A_48 = vector.load %arg8[%swap3A_45, %swap3A_46, %swap3A_47] : memref<1x1x576xi32, #tpu.memory_space<vmem>>, vector<1x1x576xi32>
    %swap3A_49 = vector.shape_cast %swap3A_48 : vector<1x1x576xi32> to vector<576xi32>
    %swap3A_50 = vector.shape_cast %add3A_44 : vector<576xi32> to vector<1x1x576xi32>
    tpu.vector_store %arg8[%swap3A_45, %swap3A_46, %swap3A_47], %swap3A_50 {strides = array<i32>} : memref<1x1x576xi32, #tpu.memory_space<vmem>>, vector<1x1x576xi32>,
    %get3A_51 = arith.constant 0 : index
    %get3A_52 = vector.load %arg12[%get3A_51] : memref<576xf32, #tpu.memory_space<vmem>>, vector<576xf32>
    %reduce_sum3A = vector.shape_cast %get3A_52 : vector<576xf32> to vector<1x576xf32>
    %reduce_sum3A_53 = arith.constant dense<0.000000e+00> : vector<1xf32>
    %reduce_sum3A_54 = vector.multi_reduction <add>, %reduce_sum3A, %reduce_sum3A_53 [1] : vector<1x576xf32> to vector<1xf32>
    %reduce_sum3A_55 = vector.shape_cast %reduce_sum3A_54 : vector<1xf32> to vector<1x1xf32>
    %reduce_sum3A_56 = vector.extract %reduce_sum3A_55[0, 0] : f32 from vector<1x1xf32>
    %eq3A = arith.constant 0 : i32
    %eq3A_57 = arith.cmpi eq, %arg0, %eq3A : i32
    %convert_element_type3A_58 = arith.extui %eq3A_57 : i1 to i32
    %cond3A = arith.constant 0 : i32
    %cond3A_59 = arith.cmpi ne, %convert_element_type3A_58, %cond3A : i32
    scf.if %cond3A_59 {
      %swap3A_70 = arith.constant 0.000000e+00 : f32
      %swap3A_71 = arith.constant 0 : index
      %swap3A_72 = memref.load %arg13[%swap3A_71] : memref<1xf32, #tpu.memory_space<smem>>
      memref.store %swap3A_70, %arg13[%swap3A_71] : memref<1xf32, #tpu.memory_space<smem>>
    } else {
    }
    %get3A_60 = arith.constant 0 : index
    %get3A_61 = memref.load %arg13[%get3A_60] : memref<1xf32, #tpu.memory_space<smem>>
    %add3A_62 = arith.addf %get3A_61, %reduce_sum3A_56 : f32
    %swap3A_63 = arith.constant 0 : index
    %swap3A_64 = memref.load %arg13[%swap3A_63] : memref<1xf32, #tpu.memory_space<smem>>
    memref.store %add3A_62, %arg13[%swap3A_63] : memref<1xf32, #tpu.memory_space<smem>>
    %eq3A_65 = arith.constant 63 : i32
    %eq3A_66 = arith.cmpi eq, %arg0, %eq3A_65 : i32
    %convert_element_type3A_67 = arith.extui %eq3A_66 : i1 to i32
    %cond3A_68 = arith.constant 0 : i32
    %cond3A_69 = arith.cmpi ne, %convert_element_type3A_67, %cond3A_68 : i32
    scf.if %cond3A_69 {
      %get3A_70 = arith.constant 0 : index
      %get3A_71 = memref.load %arg13[%get3A_70] : memref<1xf32, #tpu.memory_space<smem>>
      %mul3A = arith.constant 8.27842328E-9 : f32
      %mul3A_72 = arith.mulf %get3A_71, %mul3A : f32
      %swap3A_73 = arith.constant 0 : index
      %swap3A_74 = arith.constant 0 : index
      %swap3A_75 = memref.load %arg9[%swap3A_73, %swap3A_74] : memref<1x1xf32, #tpu.memory_space<smem>>
      memref.store %mul3A_72, %arg9[%swap3A_73, %swap3A_74] : memref<1x1xf32, #tpu.memory_space<smem>>
    } else {
    }
    return
  }
  func.func @transform_0(%arg0: i32) -> i32 {
    %c0_i32 = arith.constant 0 : i32
    %c0_i32_0 = arith.constant 0 : i32
    return %c0_i32 : i32
  }
  func.func @transform_1(%arg0: i32) -> i32 {
    %c0_i32 = arith.constant 0 : i32
    %c0_i32_0 = arith.constant 0 : i32
    return %c0_i32 : i32
  }
  func.func @transform_2(%arg0: i32) -> (i32, i32, i32) {
    %c0_i32 = arith.constant 0 : i32
    %c0_i32_0 = arith.constant 0 : i32
    %c0_i32_1 = arith.constant 0 : i32
    return %arg0, %c0_i32, %c0_i32_0 : i32, i32, i32
  }
  func.func @transform_3(%arg0: i32) -> (i32, i32, i32) {
    %c0_i32 = arith.constant 0 : i32
    %c0_i32_0 = arith.constant 0 : i32
    %c0_i32_1 = arith.constant 0 : i32
    return %arg0, %c0_i32, %c0_i32_0 : i32, i32, i32
  }
  func.func @transform_4(%arg0: i32) -> (i32, i32) {
    %c0_i32 = arith.constant 0 : i32
    %c0_i32_0 = arith.constant 0 : i32
    %c0_i32_1 = arith.constant 0 : i32
    return %c0_i32, %c0_i32_0 : i32, i32
  }
  func.func @transform_5(%arg0: i32) -> (i32, i32) {
    %c0_i32 = arith.constant 0 : i32
    %c0_i32_0 = arith.constant 0 : i32
    %c0_i32_1 = arith.constant 0 : i32
    return %c0_i32, %c0_i32_0 : i32, i32
  }
  func.func @transform_6(%arg0: i32) -> (i32, i32, i32) {
    %c0_i32 = arith.constant 0 : i32
    %c0_i32_0 = arith.constant 0 : i32
    %c0_i32_1 = arith.constant 0 : i32
    return %arg0, %c0_i32, %c0_i32_0 : i32, i32, i32
  }
  func.func @transform_7(%arg0: i32) -> (i32, i32, i32) {
    %c0_i32 = arith.constant 0 : i32
    %c0_i32_0 = arith.constant 0 : i32
    %c0_i32_1 = arith.constant 0 : i32
    return %arg0, %c0_i32, %c0_i32_0 : i32, i32, i32
  }
  func.func @transform_8(%arg0: i32) -> (i32, i32) {
    %c0_i32 = arith.constant 0 : i32
    %c0_i32_0 = arith.constant 0 : i32
    %c0_i32_1 = arith.constant 0 : i32
    return %c0_i32, %c0_i32_0 : i32, i32
  }
}

</mosaic_0001>

<sc_bundles>
// kernel: kernel.4.cloned.1.call-start
scs
__scs_entry_jumppad:
0x0: {  	(pc) =	sbr.rel $0x88, $3  }
0x1: {  	(tag) =	ssettag $0x0;
	lr =	simm.s32 $0x1  }
0x2: {  	[smem:$0x3F9B] =	sst lr;
	_ =	strace $0xD0000000  }
0x3: {  	_ = 	snop  }
0x4: {  	_ = 	snop  }
0x5: {  	_ = 	snop  }
0x6: {  	_ = 	snop  }
0x7: {  	_ = 	snop  }
__scs_overlays_trampoline_lowered:
0x8: {  	[smem:$0x3FAA] =	sst s0  }
0x9: {  	[smem:$0x3FAB] =	sst s1  }
0xa: {  	[smem:$0x3FAC] =	sst s2  }
0xb: {  	[smem:$0x3FAD] =	sst s3  }
0xc: {  	[smem:$0x3FAE] =	sst s4  }
0xd: {  	[smem:$0x3FAF] =	sst s5  }
0xe: {  	[smem:$0x3FB0] =	sst s6  }
0xf: {  	[smem:$0x3FB1] =	sst s7  }
0x10: {  	[smem:$0x3FB2] =	sst s8  }
0x11: {  	[smem:$0x3FB3] =	sst s9;
	s0 =	simm.s32 @!p0 $0x0  }
0x12: {  	s1 =	sld [smem:$0x3F99];
	s0 =	simm.s32 @p0 $0x1  }
0x13: {  	[smem:$0x3FB4] =	sst s0;
	s0 =	simm.s32 @!p1 $0x0  }
0x14: {  	s2 =	sld [smem:$0x3F98];
	s0 =	simm.s32 @p1 $0x1  }
0x15: {  	[smem:$0x3FB5] =	sst s0;
	s0 =	simm.s32 @!p2 $0x0  }
0x16: {  	s3 =	sld [smem:$0x3FDB];
	s0 =	simm.s32 @p2 $0x1  }
0x17: {  	s4 =	simm.s32 $0x1BF5;
	[smem:$0x3FB7] =	sst s0  }
0x18: {  	s0 =	sld [smem:$0x3F9A];
	_ =	swait.ge [sflag:s4], $0x0  }
0x19: {  	s7 =	sld [smem:$0x3F9B]  }
0x1a: {  	s8 =	sadd.s32 $0xFFFFE003, lr  }
0x1b: {  	s9 =	sadd.s32 $0xFFFFFEF7, lr;
	s5 =	simm.s32 $0xFFFFFFFF;
	p2 =	slt.u32 s8, $0xFFFFF086  }
0x1c: {  	p1 =	slt.u32 s9, $0xF7A;
	s5 =	simm.s32 @!p2 $0x0  }
0x1d: {  	s5 =	simm.s32 @p1 $0x1;
	p0 =	seq.s32 s7, s2  }
0x1e: {  	s7 =	smul.u32 @!p0 $0xF7A, s2;
	p2 =	seq.s32 @!p0 s5, $0x0  }
0x1f: {  	s9 =	smul.u32 $0xF7A, s1;
	s8 =	simm.s32 @!p0 $0x1BF5;
	p2 =	por !p2, p0  }
0x20: {  	[sflag:s8] =	ssyncset.s32 @!p0 $0xFFFFF086;
	s6 =	sadd.s32 @!p0 s3, s7;
	s7 =	simm.s32 @!p0 $0x108  }
0x21: {  	s3 =	sadd.s32 s3, s9;
	s6 =	sadd.s32 @!p0 $0x88, s6;
	s7 =	simm.s32 @p2 $0x1082  }
0x22: {  	[simem:s7], [sflag:s8] =	dma.local @!p0 [hbm:s6], $0xF7A  }
0x23: {  	s9 =	sor.u32 $0xD0000000, s2;
	s6 =	simm.s32 $0x108;
	_ =	swait.ge @!p0 [sflag:s8], $0x0  }
0x24: {  	s3 =	sadd.s32 $0x88, s3;
	s6 =	simm.s32 @!p1 $0x1082;
	[sflag:s4] =	ssyncset.s32 $0xFFFFF086  }
0x25: {  	[simem:s6], [sflag:s4] =	dma.local [hbm:s3], $0xF7A  }
0x26: {  	[smem:$0x3F9B] =	sst s1;
	(tag) =	ssettag s2;
	_ =	strace s9  }
0x27: {  	s1 =	sld [smem:$0x3FAB]  }
0x28: {  	s2 =	sld [smem:$0x3FAC]  }
0x29: {  	s4 =	sld [smem:$0x3FAE]  }
0x2a: {  	p0 =	seq.s32 s5, $0x0;
	s5 =	sld [smem:$0x3FAF]  }
0x2b: {  	s6 =	sld [smem:$0x3FB0]  }
0x2c: {  	s7 =	sld [smem:$0x3FB1]  }
0x2d: {  	s3 =	simm.s32 $0x108;
	s8 =	sld [smem:$0x3FB2]  }
0x2e: {  	s3 =	simm.s32 @!p0 $0x1082;
	s9 =	sld [smem:$0x3FB3]  }
0x2f: {  	lr =	sadd.s32 s0, s3;
	s0 =	sld [smem:$0x3FAA]  }
0x30: {  	s3 =	sld [smem:$0x3FAD]  }
0x31: {  	[smem:$0x3FB6] =	sst s10  }
0x32: {  	s10 =	sld [smem:$0x3FB4];
	_ =	sdelay $0x3  }
0x33: {  	p0 =	seq.s32 s10, $0x1;
	s10 =	sld [smem:$0x3FB6];
	_ =	sdelay $0x3  }
0x34: {  	[smem:$0x3FB6] =	sst s10  }
0x35: {  	s10 =	sld [smem:$0x3FB5];
	_ =	sdelay $0x3  }
0x36: {  	p1 =	seq.s32 s10, $0x1;
	s10 =	sld [smem:$0x3FB6];
	_ =	sdelay $0x3  }
0x37: {  	[smem:$0x3FB6] =	sst s10  }
0x38: {  	s10 =	sld [smem:$0x3FB7]  }
0x39: {  	_ = 	snop;
	(pc) =	sbr.ind lr, $3  }
0x3a: {  	_ = 	snop  }
0x3b: {  	_ = 	snop  }
0x3c: {  	p2 =	seq.s32 s10, $0x1;
	s10 =	sld [smem:$0x3FB6]  }
0x3d: {  	_ =	shalt  }
0x3e: {  	_ =	shalt  }
0x3f: {  	_ =	shalt  }
0x40: {  	_ =	shalt  }
0x41: {  	_ =	shalt  }
0x42: {  	_ =	shalt  }
0x43: {  	_ =	shalt  }
0x44: {  	_ =	shalt  }
0x45: {  	_ =	shalt  }
0x46: {  	_ =	shalt  }
0x47: {  	_ =	shalt  }
0x48: {  	_ =	shalt  }
0x49: {  	_ =	shalt  }
0x4a: {  	_ =	shalt  }
0x4b: {  	_ =	shalt  }
0x4c: {  	_ =	shalt  }
0x4d: {  	_ =	shalt  }
0x4e: {  	_ =	shalt  }
0x4f: {  	_ =	shalt  }
0x50: {  	_ =	shalt  }
0x51: {  	_ =	shalt  }
0x52: {  	_ =	shalt  }
0x53: {  	_ =	shalt  }
0x54: {  	_ =	shalt  }
0x55: {  	_ =	shalt  }
0x56: {  	_ =	shalt  }
0x57: {  	_ =	shalt  }
0x58: {  	_ =	shalt  }
0x59: {  	_ =	shalt  }
0x5a: {  	_ =	shalt  }
0x5b: {  	_ =	shalt  }
0x5c: {  	_ =	shalt  }
0x5d: {  	_ =	shalt  }
0x5e: {  	_ =	shalt  }
0x5f: {  	_ =	shalt  }
0x60: {  	_ =	shalt  }
0x61: {  	_ =	shalt  }
0x62: {  	_ =	shalt  }
0x63: {  	_ =	shalt  }
0x64: {  	_ =	shalt  }
0x65: {  	_ =	shalt  }
0x66: {  	_ =	shalt  }
0x67: {  	_ =	shalt  }
0x68: {  	_ =	shalt  }
0x69: {  	_ =	shalt  }
0x6a: {  	_ =	shalt  }
0x6b: {  	_ =	shalt  }
0x6c: {  	_ =	shalt  }
0x6d: {  	_ =	shalt  }
0x6e: {  	_ =	shalt  }
0x6f: {  	_ =	shalt  }
0x70: {  	_ =	shalt  }
0x71: {  	_ =	shalt  }
0x72: {  	_ =	shalt  }
0x73: {  	_ =	shalt  }
0x74: {  	_ =	shalt  }
0x75: {  	_ =	shalt  }
0x76: {  	_ =	shalt  }
0x77: {  	_ =	shalt  }
0x78: {  	_ =	shalt  }
0x79: {  	_ =	shalt  }
0x7a: {  	_ =	shalt  }
0x7b: {  	_ =	shalt  }
0x7c: {  	_ =	shalt  }
0x7d: {  	_ =	shalt  }
0x7e: {  	_ =	shalt  }
0x7f: {  	_ =	shalt  }
0x80: {  	_ =	shalt  }
0x81: {  	_ =	shalt  }
0x82: {  	_ =	shalt  }
0x83: {  	_ =	shalt  }
0x84: {  	_ =	shalt  }
0x85: {  	_ =	shalt  }
0x86: {  	_ =	shalt  }
0x87: {  	_ =	shalt  }
.Lfunc_end0:
.L_simem_size_0:
called_computation_lowered:
.L_overlay_start_0:
0x88: {  	s2 =	sld [smem:$0x3FD9]  }
0x89: {  	s3 =	sld [smem:$0x3FFE];
	_ =	sdelay $0x1  }
0x8a: {  	s1 =	srdreg.scid  }
0x8b: {  	s0 =	sand.u32 $0x1, s1  }
0x8c: {  	s14 =	sshll.u32 s0, $0xA;
	s2 =	sadd.s32 s3, s2  }
0x8d: {  	s2 =	sadd.s32 s2, s14  }
0x8e: {  	[smem:$0x3FC2] =	sst s2  }
0x8f: {  	_ = 	snop  }
0x90: {  	s2 =	sld [smem:$0x3FD0];
	_ =	sdelay $0x2  }
0x91: {  	s15 =	simm.s32 $0xA;
	s4 =	simm.s32 $0x10  }
0x92: {  	[smem:s4], [sflag:s15] =	dma.local [hbm:s2], $0x1  }
0x93: {  	_ =	swait.eq [sflag:s15], $0x1  }
0x94: {  	[sflag:s15] =	ssyncset.done $0x0  }
0x95: {  	[sflag:s15] =	ssyncadd.s32 $0xFFFFFFFF  }
0x96: {  	s16 =	sld [smem:$0x10];
	(tm) =	ssettm $0x1  }
0x97: {  	s17 =	sld [smem:$0x3FFB];
	_ =	sdelay $0x3  }
0x98: {  	_ =	strace s17  }
0x99: {  	s3 =	sld [smem:$0x3FFC];
	_ =	sdelay $0x3  }
0x9a: {  	_ =	strace s3  }
0x9b: {  	s3 =	sld [smem:$0x3FFD];
	_ =	sdelay $0x3  }
0x9c: {  	_ =	strace s3  }
0x9d: {  	_ =	strace $0x8FFFFFFF  }
0x9e: {  	s18 =	sld [smem:$0x3FDB];
	_ =	sdelay $0x1  }
0x9f: {  	s19 =	simm.s32 $_scs_section_size  }
0xa0: {  	s5 =	simm.s32 $_size__tile_overlayer_lowered;
	s6 =	simm.s32 $_tile_overlayer_lowered  }
0xa1: {  	s22 =	simm.s32 $0x1BFF;
	s21 =	sshll.u32 s6, $0x1;
	s3 =	sadd.s32 s19, s18  }
0xa2: {  	s7 =	simm.s32 $0x0;
	s20 =	sshll.u32 s5, $0x1;
	s5 =	sadd.s32 s21, s3  }
0xa3: {  	[timem:s7], [sflag:s22] =	dma.local [hbm:s5], s20  }
0xa4: {  	_ =	swait.ge [sflag:s22], s20  }
0xa5: {  	s4 =	ssub.s32 $0x0, s20;
	[sflag:s22] =	ssyncset.done $0x0  }
0xa6: {  	[sflag:s22] =	ssyncadd.s32 s4;
	_ =	sdelay $0x1  }
0xa7: {  	s23 =	simm.s32 $0x1B8B  }
0xa8: {  	_ =	swait.ge [sflag:s23], $0x1  }
0xa9: {  	[sflag:s23] =	ssyncset.done $0x0  }
0xaa: {  	s25 =	simm.s32 $0x1B8E;
	s24 =	sld [smem:$0x3FFE];
	[sflag:s23] =	ssyncadd.s32 $0xFFFFFFFF  }
0xab: {  	s26 =	simm.s32 $execute0_lowered;
	[smem:$0x3FD2] =	sst s25  }
0xac: {  	s5 =	sshll.u32 s26, $0x1;
	_ =	strace $0x80000046;
	[dreg:$0x1] =	wrdreg $0xFFFFFFFF  }
0xad: {  	s28 =	simm.s32 $_size_execute0_lowered;
	s3 =	sadd.s32 s3, s5;
	[dreg:$0x0] =	wrdreg $0x0  }
0xae: {  	s5 =	sshll.u32 s28, $0x1;
	[dreg:$0x2] =	wrdreg s3  }
0xaf: {  	[dreg:$0x3] =	wrdreg s5  }
0xb0: {  	[dreg:$0x4] =	wrdreg $0xC0  }
0xb1: {  	_ =	task [dreg:s7], $0x5FFFF  }
0xb2: {  	[dreg:$0x1] =	wrdreg $0xFFFFFFFF  }
0xb3: {  	[dreg:$0x0] =	wrdreg $0x60  }
0xb4: {  	[dreg:$0x2] =	wrdreg s24  }
0xb5: {  	[dreg:$0x3] =	wrdreg s16  }
0xb6: {  	[dreg:$0x4] =	wrdreg $0x9  }
0xb7: {  	_ =	task.clear_ibuf [dreg:s7], $0x5FFFF;
	_ =	strace $0x90000046  }
0xb8: {  	s29 =	simm.s32 $0x9;
	_ =	strace $0x80000048  }
0xb9: {  	_ =	swait.ge [sflag:s29], $0x1  }
0xba: {  	[sflag:s29] =	ssyncadd.s32 $0xFFFFFFFF  }
0xbb: {  	_ =	strace $0x90000048  }
0xbc: {  	_ =	sfence  }
0xbd: {  	s30 =	sld [smem:$0x0];
	_ =	sdelay $0x2  }
0xbe: {  	s31 =	sshll.u32 s1, $0xD;
	s1 =	sshrl.u32 s1, $0x2  }
0xbf: {  	s3 =	sand.u32 $0x4000, s31;
	s1 =	sadd.s32 s1, s30  }
0xc0: {  	s0 =	sor.u32 s3, s0;
	s1 =	sshll.u32 s1, $0x11  }
0xc1: {  	s0 =	sor.u32 s1, s0  }
0xc2: {  	s0 =	sadd.s32 $0x8F2B, s0  }
0xc3: {  	[sflag:s0] =	ssyncadd.remote.s32 $0x1  }
0xc4: {  	_ =	sfence.sel $0xFFFF  }
0xc5: {  	[dreg:$0x0] =	wrdreg $0xFFFFFFFF;
	(pc) =	sbr.abs _section_cstart, $3  }
0xc6: {  	[dreg:$0x1] =	wrdreg $0xFFFFFFFF  }
0xc7: {  	_ =	task.clear_ibuf [dreg:s7], $0x2FFFF;
	_ =	strace $0x9FFFFFFF  }
0xc8: {  	(tm) =	ssettm $0x7FFFFFFF  }
0xc9: {  	_ =	shalt  }
tec
execute0_lowered:
.L_overlay_start_1:
0x0: {  	(tag) =	ssettag $0x1  }
0x1: {  	s1 =	srdreg.scid;
	s0 =	stileid.u32  }
0x2: {  	s25 =	sand.u32 $0x1, s1;
	s31 =	sshll.u32 s0, $0x1  }
0x3: {  	s2 =	rddreg [dreg:$0x0];
	s26 =	sor.u32 s25, s31  }
0x4: {  	s24 =	rddreg [dreg:$0x1];
	s4 =	smul.u32 $0x90, s26  }
0x5: {  	s3 =	simm.s32 $0x0;
	s1 =	rddreg [dreg:$0x2]  }
0x6: {  	[smem:$0x7FF] =	sst s3;
	s4 =	sadd.s32 s4, s2  }
0x7: {  	_ =	strace $0x80000047;
	s5 =	sadd.s32 $0x1B000, s4;
	s4 =	simm.s32 $0x2  }
0x8: {  	[tilespmem:s3], [sflag:$0x2] =	stream.linear.gather [hbm4b:s5+s3], $0x480, $0x38;
	[tilespmem:$0x12480] =	vst v63  }
0x9: {  	_ =	swait.ge [sflag:s4], $0x480  }
0xa: {  	[sflag:s4] =	ssyncset.done $0x0  }
0xb: {  	s6 =	simm.s32 $0x80;
	s7 =	simm.s32 $0x480;
	[sflag:s4] =	ssyncadd.s32 $0xFFFFFB80  }
0xc: {  	[tilespmem:s7], [sflag:$0x1] =	stream.indirect.gather [hbm4b:s2+s6], $0x40, s3, s6, $0xb8;
	[tilespmem:$0x12480] =	vst v63  }
0xd: {  	s8 =	simm.s32 $0x2480  }
0xe: {  	[tilespmem:s8], [sflag:$0x1] =	stream.indirect.gather [hbm4b:s2+s6], $0x40, s6, s6, $0xb8;
	[tilespmem:$0x12480] =	vst v63  }
0xf: {  	s9 =	simm.s32 $0x100;
	s10 =	simm.s32 $0x4480  }
0x10: {  	[tilespmem:s10], [sflag:$0x1] =	stream.indirect.gather [hbm4b:s2+s6], $0x40, s9, s6, $0xb8;
	[tilespmem:$0x12480] =	vst v63  }
0x11: {  	s11 =	simm.s32 $0x180;
	s12 =	simm.s32 $0x6480  }
0x12: {  	[tilespmem:s12], [sflag:$0x1] =	stream.indirect.gather [hbm4b:s2+s6], $0x40, s11, s6, $0xb8;
	[tilespmem:$0x12480] =	vst v63  }
0x13: {  	s13 =	simm.s32 $0x200;
	s14 =	simm.s32 $0x8480  }
0x14: {  	[tilespmem:s14], [sflag:$0x1] =	stream.indirect.gather [hbm4b:s2+s6], $0x40, s13, s6, $0xb8;
	[tilespmem:$0x12480] =	vst v63  }
0x15: {  	s15 =	simm.s32 $0x280;
	s16 =	simm.s32 $0xA480  }
0x16: {  	[tilespmem:s16], [sflag:$0x1] =	stream.indirect.gather [hbm4b:s2+s6], $0x40, s15, s6, $0xb8;
	[tilespmem:$0x12480] =	vst v63  }
0x17: {  	s17 =	simm.s32 $0x300;
	s18 =	simm.s32 $0xC480  }
0x18: {  	[tilespmem:s18], [sflag:$0x1] =	stream.indirect.gather [hbm4b:s2+s6], $0x40, s17, s6, $0xb8;
	[tilespmem:$0x12480] =	vst v63  }
0x19: {  	s19 =	simm.s32 $0x380;
	s20 =	simm.s32 $0xE480  }
0x1a: {  	[tilespmem:s20], [sflag:$0x1] =	stream.indirect.gather [hbm4b:s2+s6], $0x40, s19, s6, $0xb8;
	[tilespmem:$0x12480] =	vst v63  }
0x1b: {  	s21 =	simm.s32 $0x400;
	s22 =	simm.s32 $0x10480;
	s23 =	simm.s32 $0x1  }
0x1c: {  	[tilespmem:s22], [sflag:$0x1] =	stream.indirect.gather [hbm4b:s2+s6], $0x40, s21, s6, $0xb8;
	[tilespmem:$0x12480] =	vst v63  }
0x1d: {  	_ =	swait.ge [sflag:s23], $0x2000  }
0x1e: {  	[sflag:s23] =	ssyncset.done $0x0  }
0x1f: {  	[sflag:s23] =	ssyncadd.s32 $0xFFFFE000  }
0x20: {  	_ =	swait.ge [sflag:s23], $0x2000  }
0x21: {  	[sflag:s23] =	ssyncset.done $0x0  }
0x22: {  	[sflag:s23] =	ssyncadd.s32 $0xFFFFE000  }
0x23: {  	_ =	swait.ge [sflag:s23], $0x2000  }
0x24: {  	[sflag:s23] =	ssyncset.done $0x0  }
0x25: {  	[sflag:s23] =	ssyncadd.s32 $0xFFFFE000  }
0x26: {  	_ =	swait.ge [sflag:s23], $0x2000  }
0x27: {  	[sflag:s23] =	ssyncset.done $0x0  }
0x28: {  	[sflag:s23] =	ssyncadd.s32 $0xFFFFE000  }
0x29: {  	_ =	swait.ge [sflag:s23], $0x2000  }
0x2a: {  	[sflag:s23] =	ssyncset.done $0x0  }
0x2b: {  	[sflag:s23] =	ssyncadd.s32 $0xFFFFE000  }
0x2c: {  	_ =	swait.ge [sflag:s23], $0x2000  }
0x2d: {  	[sflag:s23] =	ssyncset.done $0x0  }
0x2e: {  	[sflag:s23] =	ssyncadd.s32 $0xFFFFE000  }
0x2f: {  	_ =	swait.ge [sflag:s23], $0x2000  }
0x30: {  	[sflag:s23] =	ssyncset.done $0x0  }
0x31: {  	s25 =	ssub.s32 $0x2, s25;
	[sflag:s23] =	ssyncadd.s32 $0xFFFFE000  }
0x32: {  	s28 =	sshrl.u32 s25, $0x1;
	_ =	swait.ge [sflag:s23], $0x2000  }
0x33: {  	s25 =	ssub.s32 s25, s28;
	[sflag:s23] =	ssyncset.done $0x0  }
0x34: {  	s25 =	smax.u32 s25, $0x1;
	[sflag:s23] =	ssyncadd.s32 $0xFFFFE000  }
0x35: {  	s26 =	smul.u32 $0x2400, s26;
	p0 =	sne.s32 s25, $0x1;
	_ =	swait.ge [sflag:s23], $0x2000  }
.Ltmp0:
0x36: {  	[sflag:s23] =	ssyncset.done $0x0;
	(pc) =	sbr.rel @!p0 .LBB2_2-.Ltmp0, $4  }
0x37: {  	s24 =	sadd.s32 s24, s26;
	[sflag:s23] =	ssyncadd.s32 $0xFFFFE000  }
0x38: {  	[hbm4b:s24+s3] =	stream.linear.scatter [tilespmem:s7], [sflag:$0x2], $0x12000, $0x38;
	[tilespmem:$0x12480] =	vst v63  }
0x39: {  	_ =	swait.ge [sflag:s4], $0x12000  }
0x3a: {  	s25 =	sadd.s32 $0xFFFFFFFF, s25;
	[sflag:s4] =	ssyncset.done $0x0  }
.LBB2_1:
0x3b: {  	p0 =	sne.s32 s25, $0x1;
	s25 =	sadd.s32 $0xFFFFFFFF, s25;
	[sflag:s4] =	ssyncadd.s32 $0xFFFEE000  }
0x3c: {  	[tilespmem:s3], [sflag:$0x2] =	stream.linear.gather [hbm4b:s5+s3], $0x480, $0x38;
	[tilespmem:$0x12480] =	vst v63  }
0x3d: {  	_ =	swait.ge [sflag:s4], $0x480  }
0x3e: {  	[sflag:s4] =	ssyncset.done $0x0  }
0x3f: {  	[sflag:s4] =	ssyncadd.s32 $0xFFFFFB80  }
0x40: {  	[tilespmem:s7], [sflag:$0x1] =	stream.indirect.gather [hbm4b:s2+s6], $0x40, s3, s6, $0xb8;
	[tilespmem:$0x12480] =	vst v63  }
0x41: {  	_ = 	snop  }
0x42: {  	[tilespmem:s8], [sflag:$0x1] =	stream.indirect.gather [hbm4b:s2+s6], $0x40, s6, s6, $0xb8;
	[tilespmem:$0x12480] =	vst v63  }
0x43: {  	_ = 	snop  }
0x44: {  	[tilespmem:s10], [sflag:$0x1] =	stream.indirect.gather [hbm4b:s2+s6], $0x40, s9, s6, $0xb8;
	[tilespmem:$0x12480] =	vst v63  }
0x45: {  	_ = 	snop  }
0x46: {  	[tilespmem:s12], [sflag:$0x1] =	stream.indirect.gather [hbm4b:s2+s6], $0x40, s11, s6, $0xb8;
	[tilespmem:$0x12480] =	vst v63  }
0x47: {  	_ = 	snop  }
0x48: {  	[tilespmem:s14], [sflag:$0x1] =	stream.indirect.gather [hbm4b:s2+s6], $0x40, s13, s6, $0xb8;
	[tilespmem:$0x12480] =	vst v63  }
0x49: {  	_ = 	snop  }
0x4a: {  	[tilespmem:s16], [sflag:$0x1] =	stream.indirect.gather [hbm4b:s2+s6], $0x40, s15, s6, $0xb8;
	[tilespmem:$0x12480] =	vst v63  }
0x4b: {  	_ = 	snop  }
0x4c: {  	[tilespmem:s18], [sflag:$0x1] =	stream.indirect.gather [hbm4b:s2+s6], $0x40, s17, s6, $0xb8;
	[tilespmem:$0x12480] =	vst v63  }
0x4d: {  	_ = 	snop  }
0x4e: {  	[tilespmem:s20], [sflag:$0x1] =	stream.indirect.gather [hbm4b:s2+s6], $0x40, s19, s6, $0xb8;
	[tilespmem:$0x12480] =	vst v63  }
0x4f: {  	_ = 	snop  }
0x50: {  	[tilespmem:s22], [sflag:$0x1] =	stream.indirect.gather [hbm4b:s2+s6], $0x40, s21, s6, $0xb8;
	[tilespmem:$0x12480] =	vst v63  }
0x51: {  	_ =	swait.ge [sflag:s23], $0x2000  }
0x52: {  	[sflag:s23] =	ssyncset.done $0x0  }
0x53: {  	[sflag:s23] =	ssyncadd.s32 $0xFFFFE000  }
0x54: {  	_ =	swait.ge [sflag:s23], $0x2000  }
0x55: {  	[sflag:s23] =	ssyncset.done $0x0  }
0x56: {  	[sflag:s23] =	ssyncadd.s32 $0xFFFFE000  }
0x57: {  	_ =	swait.ge [sflag:s23], $0x2000  }
0x58: {  	[sflag:s23] =	ssyncset.done $0x0  }
0x59: {  	[sflag:s23] =	ssyncadd.s32 $0xFFFFE000  }
0x5a: {  	_ =	swait.ge [sflag:s23], $0x2000  }
0x5b: {  	[sflag:s23] =	ssyncset.done $0x0  }
0x5c: {  	[sflag:s23] =	ssyncadd.s32 $0xFFFFE000  }
0x5d: {  	_ =	swait.ge [sflag:s23], $0x2000  }
0x5e: {  	[sflag:s23] =	ssyncset.done $0x0  }
0x5f: {  	[sflag:s23] =	ssyncadd.s32 $0xFFFFE000  }
0x60: {  	_ =	swait.ge [sflag:s23], $0x2000  }
0x61: {  	[sflag:s23] =	ssyncset.done $0x0  }
0x62: {  	[sflag:s23] =	ssyncadd.s32 $0xFFFFE000  }
0x63: {  	_ =	swait.ge [sflag:s23], $0x2000  }
0x64: {  	[sflag:s23] =	ssyncset.done $0x0  }
0x65: {  	[sflag:s23] =	ssyncadd.s32 $0xFFFFE000  }
0x66: {  	_ =	swait.ge [sflag:s23], $0x2000  }
0x67: {  	[sflag:s23] =	ssyncset.done $0x0  }
0x68: {  	[sflag:s23] =	ssyncadd.s32 $0xFFFFE000  }
0x69: {  	_ =	swait.ge [sflag:s23], $0x2000  }
.Ltmp1:
0x6a: {  	[sflag:s23] =	ssyncset.done $0x0;
	(pc) =	sbr.rel @p0 .LBB2_1-.Ltmp1, $4  }
0x6b: {  	[sflag:s23] =	ssyncadd.s32 $0xFFFFE000  }
0x6c: {  	[hbm4b:s24+s3] =	stream.linear.scatter [tilespmem:s7], [sflag:$0x2], $0x12000, $0x38;
	[tilespmem:$0x12480] =	vst v63  }
0x6d: {  	_ =	swait.ge [sflag:s4], $0x12000  }
0x6e: {  	[sflag:s4] =	ssyncset.done $0x0  }
.LBB2_2:
0x6f: {  	[sflag:s4] =	ssyncadd.s32 $0xFFFEE000  }
0x70: {  	_ =	sfence.sel $0x180000  }
0x71: {  	[bflag:$0x0] =	sbarrier.arrive $0xFFFF  }
0x72: {  	p0 =	sne.s32 s0, $0x0;
	_ =	strace $0x90000047  }
0x73: {  	s0 =	sadd.s32 @!p0 $0x100000, s1;
	[bflag:$0x2] =	sbarrier.arrive $0xFFFF  }
0x74: {  	[sflag:s0] =	ssyncadd.tile.s32 @!p0 $0x1;
	_ =	shalt  }
.Lfunc_end2:
_tile_overlayer_lowered:
.L_overlay_start_2:
0x75: {  	(tag) =	ssettag $0x2  }
0x76: {  	s0 =	rddreg [dreg:$0x0];
	s2 =	stileid.u32  }
0x77: {  	s1 =	rddreg [dreg:$0x1];
	p0 =	sne.s32 s2, $0x0  }
0x78: {  	s3 =	rddreg [dreg:$0x2];
	[bflag:$0x3] =	sbarrier.arrive $0xFFFF;
	s2 =	simm.s32 @!p0 $0x1C02  }
0x79: {  	[timem:s3], [sflag:s2] =	dma.local @!p0 [hbm:s0], s1  }
0x7a: {  	s0 =	simm.s32 @!p0 $0x2  }
0x7b: {  	_ =	swait.ge @!p0 [sflag:s0], s1  }
0x7c: {  	s1 =	ssub.s32 @!p0 $0x0, s1;
	[sflag:s0] =	ssyncset.done @!p0 $0x0  }
0x7d: {  	[sflag:s0] =	ssyncadd.s32 @!p0 s1  }
0x7e: {  	[bflag:$0x3] =	sbarrier.arrive $0xFFFF  }
0x7f: {  	_ =	shalt  }

</sc_bundles>
